<compile_context>
chip_gen: v7x
topology: tpu7x:2x2x1
jax: 0.10.2.dev20260603
libtpu: 0.0.44.dev20260713+nightly
codegen_flags: <defaults>
</compile_context>

<pallas_src>
import functools

import jax
import jax.numpy as jnp
from jax import lax
from jax.experimental import pallas as pl
from jax.experimental.pallas import tpu as pltpu
from jax.experimental.pallas import tpu_sc as plsc

NC = 2
NS = 16
NW = NC * NS

V = 1440
B = 4096 * 200
D = 64
CH = 160
S_STREAM = 64
S_TEC = CH - S_STREAM
B_PER_W = B // NW
N_CHUNKS = B_PER_W // CH
NPAIR = N_CHUNKS // 2
ROWGRP = 4

_mesh = plsc.VectorSubcoreMesh(core_axis_name="c", subcore_axis_name="s")


@functools.partial(
    pl.kernel,
    mesh=_mesh,
    out_type=jax.ShapeDtypeStruct((B, D), jnp.float32),
    scratch_types=[
        pltpu.VMEM((CH,), jnp.int32),
        pltpu.VMEM((CH,), jnp.int32),
        pltpu.VMEM((CH, D), jnp.float32),
        pltpu.VMEM((CH, D), jnp.float32),
        pltpu.VMEM((V, D), jnp.float32),
        pltpu.VMEM_SHARED((V, D), jnp.float32),
        pltpu.SemaphoreType.DMA,
        pltpu.SemaphoreType.DMA,
        pltpu.SemaphoreType.DMA,
        pltpu.SemaphoreType.DMA,
        pltpu.SemaphoreType.DMA,
        pltpu.SemaphoreType.DMA,
    ],
    compiler_params=pltpu.CompilerParams(use_tc_tiling_on_sc=False),
)
def _emb(idx_hbm, table_hbm, out_hbm, idx0, idx1, rows0, rows1,
         table_v, table_sh, semi0, semi1, semg0, semg1, semo0, semo1):
    sid = lax.axis_index("s")
    wid = sid * NC + lax.axis_index("c")
    base = pl.multiple_of(wid * B_PER_W, 8)
    idx_v = (idx0, idx1)
    rows_v = (rows0, rows1)
    semi = (semi0, semi1)
    semg = (semg0, semg1)
    semo = (semo0, semo1)

    @pl.when(sid == 0)
    def _():
        pltpu.sync_copy(table_hbm, table_sh)

    plsc.subcore_barrier()
    pltpu.sync_copy(table_sh, table_v)

    def idx_copy(ci, b):
        off = pl.multiple_of(base + ci * CH, 8)
        return pltpu.make_async_copy(
            idx_hbm.at[pl.ds(off, CH)], idx_v[b], semi[b]
        )

    def gat_copy(b):
        return pltpu.make_async_copy(
            table_sh.at[idx_v[b].at[pl.ds(0, S_STREAM)]],
            rows_v[b].at[pl.ds(0, S_STREAM)],
            semg[b],
        )

    def out_copy(ci, b):
        return pltpu.make_async_copy(
            rows_v[b], out_hbm.at[pl.ds(base + ci * CH, CH)], semo[b]
        )

    def tec_part(b):
        def body(i, carry):
            iv = idx_v[b][pl.ds(S_STREAM + i * 16, 16)]
            for u in range(0, 16, ROWGRP):
                vals = []
                for w in range(ROWGRP):
                    off = iv[u + w]
                    vals.append(
                        [table_v[off, pl.ds(k * 16, 16)]
                         for k in range(D // 16)]
                    )
                for w in range(ROWGRP):
                    r = S_STREAM + i * 16 + u + w
                    for k in range(D // 16):
                        rows_v[b][r, pl.ds(k * 16, 16)] = vals[w][k]
            return carry

        lax.fori_loop(0, S_TEC // 16, body, 0)

    idx_copy(0, 0).start()
    idx_copy(1, 1).start()

    def step(g, ci, b):
        @pl.when(g >= 1)
        def _():
            out_copy(ci - 2, b).wait()

        idx_copy(ci, b).wait()
        gat_copy(b).start()
        tec_part(b)
        gat_copy(b).wait()

        @pl.when(ci + 2 < N_CHUNKS)
        def _():
            idx_copy(ci + 2, b).start()

        out_copy(ci, b).start()

    def pair(g, carry):
        step(g, 2 * g, 0)
        step(g, 2 * g + 1, 1)
        return carry

    lax.fori_loop(0, NPAIR, pair, 0)
    out_copy(N_CHUNKS - 2, 0).wait()
    out_copy(N_CHUNKS - 1, 1).wait()


def kernel(x, table):
    idx = x.astype(jnp.int32).reshape(B)
    out = _emb(idx, table)
    return out.reshape(x.shape[0], x.shape[1], D)

# --- scband reference (transcript-rebuilt; emitter-appended) ---
"""Pipeline reference for scband-temporal-embedding-65738769432627 (READ-ONLY COPY).

The authoritative reference and input builder live on the scoring server;
editing this copy changes nothing except your own understanding.
"""

import jax, jax.numpy as jnp
import numpy as np

VOCAB = 24 * 60 * 60 // 60  # freq='t' -> 1440
D_MODEL = 64
BATCH = 4096
HIST = 200

def setup_inputs(seed: int = 0) -> dict:
    key = jax.random.key(seed)
    k_idx, k_tab = jax.random.split(key)
    x = jax.random.randint(k_idx, (BATCH, HIST), 0, VOCAB, dtype=jnp.int64)
    # nn.Embedding default init: N(0, 1)
    table = jax.random.normal(k_tab, (VOCAB, D_MODEL), dtype=jnp.float32)
    return {"x": x, "table": table}

def reference(x, table):
    # embed_type == 'fixed': x = x.long(); x = self.time_embed(x)
    # dropout p=0.0 -> identity
    idx = x.astype(jnp.int32)
    out = jnp.take(table, idx, axis=0)
    return out

if __name__ == "__main__":
    import jax
    _d = setup_inputs()
    print(jax.jit(kernel)(*tuple(_d.values())))

</pallas_src>

<mosaic_0001>
#map = affine_map<(d0, d1) -> (0)>
#map1 = affine_map<(d0, d1) -> (0, 0)>
module attributes {stable_mosaic.version = 14 : i64} {
  func.func @_emb(%arg0: i32, %arg1: i32, %arg2: memref<819200xi32, #tpu.memory_space<hbm>>, %arg3: memref<1440x64xf32, #tpu.memory_space<hbm>>, %arg4: memref<819200x64xf32, #tpu.memory_space<hbm>>, %arg5: memref<160xi32, #tpu.memory_space<vmem>>, %arg6: memref<160xi32, #tpu.memory_space<vmem>>, %arg7: memref<160x64xf32, #tpu.memory_space<vmem>>, %arg8: memref<160x64xf32, #tpu.memory_space<vmem>>, %arg9: memref<1440x64xf32, #tpu.memory_space<vmem>>, %arg10: memref<1440x64xf32, #tpu.memory_space<vmem_shared>>, %arg11: memref<!tpu.dma_semaphore, #tpu.memory_space<semaphore_mem>>, %arg12: memref<!tpu.dma_semaphore, #tpu.memory_space<semaphore_mem>>, %arg13: memref<!tpu.dma_semaphore, #tpu.memory_space<semaphore_mem>>, %arg14: memref<!tpu.dma_semaphore, #tpu.memory_space<semaphore_mem>>, %arg15: memref<!tpu.dma_semaphore, #tpu.memory_space<semaphore_mem>>, %arg16: memref<!tpu.dma_semaphore, #tpu.memory_space<semaphore_mem>>) attributes {dimension_semantics = [#tpu.dimension_semantics<core_parallel>, #tpu.dimension_semantics<subcore_parallel>], iteration_bounds = array<i64: 2, 16>, scalar_prefetch = 0 : i64, scratch_operands = 12 : i64, tpu.core_type = #tpu.core_type<sc_vector_subcore>, window_params = [{transform_indices = #map}, {transform_indices = #map1}, {transform_indices = #map1}]} {
    %mul3A = arith.constant 2 : i32
    %mul3A_0 = arith.muli %arg1, %mul3A : i32
    %add3A = arith.addi %mul3A_0, %arg0 : i32
    %mul3A_1 = arith.constant 25600 : i32
    %mul3A_2 = arith.muli %add3A, %mul3A_1 : i32
    %multiple_of3A = tpu.assume_multiple %mul3A_2, 8 : i32
    %eq3A = arith.constant 0 : i32
    %eq3A_3 = arith.cmpi eq, %arg1, %eq3A : i32
    %convert_element_type3A = arith.extui %eq3A_3 : i1 to i32
    %cond3A = arith.constant 0 : i32
    %cond3A_4 = arith.cmpi ne, %convert_element_type3A, %cond3A : i32
    scf.if %cond3A_4 {
      "tpu.region"() ({
        %run_scoped3A = tpu.sem_alloc : memref<!tpu.dma_semaphore, #tpu.memory_space<semaphore_mem>>
        tpu.enqueue_dma source(%arg3 : memref<1440x64xf32, #tpu.memory_space<hbm>>) target(%arg10 : memref<1440x64xf32, #tpu.memory_space<vmem_shared>>) target_semaphore(%run_scoped3A : memref<!tpu.dma_semaphore, #tpu.memory_space<semaphore_mem>>)
        tpu.wait_dma2 semaphore(%run_scoped3A : memref<!tpu.dma_semaphore, #tpu.memory_space<semaphore_mem>>) src(%arg3 : memref<1440x64xf32, #tpu.memory_space<hbm>>) dst(%arg10 : memref<1440x64xf32, #tpu.memory_space<vmem_shared>>)
        tpu.yield
      }) : () -> ()
    } else {
    }
    %barrier3A = arith.constant 0 : index
    tpu.barrier barrier_id(%barrier3A)
    "tpu.region"() ({
      %run_scoped3A = tpu.sem_alloc : memref<!tpu.dma_semaphore, #tpu.memory_space<semaphore_mem>>
      tpu.enqueue_dma source(%arg10 : memref<1440x64xf32, #tpu.memory_space<vmem_shared>>) target(%arg9 : memref<1440x64xf32, #tpu.memory_space<vmem>>) target_semaphore(%run_scoped3A : memref<!tpu.dma_semaphore, #tpu.memory_space<semaphore_mem>>)
      tpu.wait_dma2 semaphore(%run_scoped3A : memref<!tpu.dma_semaphore, #tpu.memory_space<semaphore_mem>>) src(%arg10 : memref<1440x64xf32, #tpu.memory_space<vmem_shared>>) dst(%arg9 : memref<1440x64xf32, #tpu.memory_space<vmem>>)
      tpu.yield
    }) : () -> ()
    %add3A_5 = arith.constant 0 : i32
    %add3A_6 = arith.addi %multiple_of3A, %add3A_5 : i32
    %multiple_of3A_7 = tpu.assume_multiple %add3A_6, 8 : i32
    %dma_start3A = tpu.memref_slice %arg2[%multiple_of3A_7] : memref<819200xi32, #tpu.memory_space<hbm>> -> memref<160xi32, #tpu.memory_space<hbm>>
    %dma_start3A_8 = tpu.memref_slice %arg2[%multiple_of3A_7] : memref<819200xi32, #tpu.memory_space<hbm>> -> memref<160xi32, #tpu.memory_space<hbm>>
    tpu.enqueue_dma source(%dma_start3A_8 : memref<160xi32, #tpu.memory_space<hbm>>) target(%arg5 : memref<160xi32, #tpu.memory_space<vmem>>) target_semaphore(%arg11 : memref<!tpu.dma_semaphore, #tpu.memory_space<semaphore_mem>>)
    %add3A_9 = arith.constant 160 : i32
    %add3A_10 = arith.addi %multiple_of3A, %add3A_9 : i32
    %multiple_of3A_11 = tpu.assume_multiple %add3A_10, 8 : i32
    %dma_start3A_12 = tpu.memref_slice %arg2[%multiple_of3A_11] : memref<819200xi32, #tpu.memory_space<hbm>> -> memref<160xi32, #tpu.memory_space<hbm>>
    %dma_start3A_13 = tpu.memref_slice %arg2[%multiple_of3A_11] : memref<819200xi32, #tpu.memory_space<hbm>> -> memref<160xi32, #tpu.memory_space<hbm>>
    tpu.enqueue_dma source(%dma_start3A_13 : memref<160xi32, #tpu.memory_space<hbm>>) target(%arg6 : memref<160xi32, #tpu.memory_space<vmem>>) target_semaphore(%arg12 : memref<!tpu.dma_semaphore, #tpu.memory_space<semaphore_mem>>)
    %scan3A = arith.constant 0 : i32
    %scan3A_14 = arith.constant 0 : i32
    %scan3A_15 = arith.constant 80 : i32
    %scan3A_16 = arith.addi %scan3A_14, %scan3A_15 : i32
    %scan3A_17 = arith.constant 1 : i32
    scf.for %scan3A_30 = %scan3A_14 to %scan3A_16 step %scan3A_17  : i32 {
      %mul3A_31 = arith.constant 2 : i32
      %mul3A_32 = arith.muli %mul3A_31, %scan3A_30 : i32
      %ge3A = arith.constant 1 : i32
      %ge3A_33 = arith.cmpi sge, %scan3A_30, %ge3A : i32
      %convert_element_type3A_34 = arith.extui %ge3A_33 : i1 to i32
      %cond3A_35 = arith.constant 0 : i32
      %cond3A_36 = arith.cmpi ne, %convert_element_type3A_34, %cond3A_35 : i32
      scf.if %cond3A_36 {
        %sub3A = arith.constant 2 : i32
        %sub3A_129 = arith.subi %mul3A_32, %sub3A : i32
        %mul3A_130 = arith.constant 160 : i32
        %mul3A_131 = arith.muli %sub3A_129, %mul3A_130 : i32
        %add3A_132 = arith.addi %multiple_of3A, %mul3A_131 : i32
        %dma_wait3A_133 = arith.constant 0 : i32
        %dma_wait3A_134 = tpu.memref_slice %arg4[%add3A_132, %dma_wait3A_133] : memref<819200x64xf32, #tpu.memory_space<hbm>> -> memref<160x64xf32, #tpu.memory_space<hbm>>
        %dma_wait3A_135 = arith.constant 0 : i32
        %dma_wait3A_136 = tpu.memref_slice %arg4[%add3A_132, %dma_wait3A_135] : memref<819200x64xf32, #tpu.memory_space<hbm>> -> memref<160x64xf32, #tpu.memory_space<hbm>>
        tpu.wait_dma2 semaphore(%arg15 : memref<!tpu.dma_semaphore, #tpu.memory_space<semaphore_mem>>) src(%arg7 : memref<160x64xf32, #tpu.memory_space<vmem>>) dst(%dma_wait3A_136 : memref<160x64xf32, #tpu.memory_space<hbm>>)
      } else {
      }
      %mul3A_37 = arith.constant 160 : i32
      %mul3A_38 = arith.muli %mul3A_32, %mul3A_37 : i32
      %add3A_39 = arith.addi %multiple_of3A, %mul3A_38 : i32
      %multiple_of3A_40 = tpu.assume_multiple %add3A_39, 8 : i32
      %dma_wait3A_41 = tpu.memref_slice %arg2[%multiple_of3A_40] : memref<819200xi32, #tpu.memory_space<hbm>> -> memref<160xi32, #tpu.memory_space<hbm>>
      %dma_wait3A_42 = tpu.memref_slice %arg2[%multiple_of3A_40] : memref<819200xi32, #tpu.memory_space<hbm>> -> memref<160xi32, #tpu.memory_space<hbm>>
      tpu.wait_dma2 semaphore(%arg11 : memref<!tpu.dma_semaphore, #tpu.memory_space<semaphore_mem>>) src(%dma_wait3A_42 : memref<160xi32, #tpu.memory_space<hbm>>) dst(%arg5 : memref<160xi32, #tpu.memory_space<vmem>>)
      %dma_start3A_43 = arith.constant 0 : i32
      %dma_start3A_44 = arith.constant 0 : i32
      %dma_start3A_45 = tpu.memref_slice %arg7[%dma_start3A_43, %dma_start3A_44] : memref<160x64xf32, #tpu.memory_space<vmem>> -> memref<64x64xf32, #tpu.memory_space<vmem>>
      %dma_start3A_46 = arith.constant 0 : i32
      %dma_start3A_47 = tpu.memref_slice %arg5[%dma_start3A_46] : memref<160xi32, #tpu.memory_space<vmem>> -> memref<64xi32, #tpu.memory_space<vmem>>
      %dma_start3A_48 = arith.constant 0 : i32
      %dma_start3A_49 = arith.constant 0 : i32
      %dma_start3A_50 = tpu.memref_slice %arg10[%dma_start3A_48, %dma_start3A_49] : memref<1440x64xf32, #tpu.memory_space<vmem_shared>> -> memref<1440x64xf32, #tpu.memory_space<vmem_shared>>
      tpu.enqueue_indirect_dma source(%dma_start3A_50 : memref<1440x64xf32, #tpu.memory_space<vmem_shared>>) target(%dma_start3A_45 : memref<64x64xf32, #tpu.memory_space<vmem>>) offsets(%dma_start3A_47 : memref<64xi32, #tpu.memory_space<vmem>>) semaphore(%arg13 : memref<!tpu.dma_semaphore, #tpu.memory_space<semaphore_mem>>)
      %scan3A_51 = arith.constant 0 : i32
      %scan3A_52 = arith.constant 0 : i32
      %scan3A_53 = arith.constant 6 : i32
      %scan3A_54 = arith.addi %scan3A_52, %scan3A_53 : i32
      %scan3A_55 = arith.constant 1 : i32
      scf.for %scan3A_129 = %scan3A_52 to %scan3A_54 step %scan3A_55  : i32 {
        %mul3A_130 = arith.constant 16 : i32
        %mul3A_131 = arith.muli %scan3A_129, %mul3A_130 : i32
        %add3A_132 = arith.constant 64 : i32
        %add3A_133 = arith.addi %add3A_132, %mul3A_131 : i32
        %get3A = arith.index_cast %add3A_133 : i32 to index
        %get3A_134 = tpu.vector_load %arg5[%get3A] {strides = array<i32>} : memref<160xi32, #tpu.memory_space<vmem>>, vector<16xi32>,
        %get3A_135 = vector.shape_cast %get3A_134 : vector<16xi32> to vector<16xi32>
        %slice3A = vector.extract_strided_slice %get3A_135 {offsets = [0], sizes = [1], strides = [1]} : vector<16xi32> to vector<1xi32>
        %squeeze3A = vector.extract %slice3A[0] : i32 from vector<1xi32>
        %get3A_136 = arith.index_cast %squeeze3A : i32 to index
        %get3A_137 = arith.constant 0 : index
        %get3A_138 = tpu.vector_load %arg9[%get3A_136, %get3A_137] {strides = array<i32>} : memref<1440x64xf32, #tpu.memory_space<vmem>>, vector<1x16xf32>,
        %get3A_139 = vector.shape_cast %get3A_138 : vector<1x16xf32> to vector<16xf32>
        %get3A_140 = arith.index_cast %squeeze3A : i32 to index
        %get3A_141 = arith.constant 16 : index
        %get3A_142 = tpu.vector_load %arg9[%get3A_140, %get3A_141] {strides = array<i32>} : memref<1440x64xf32, #tpu.memory_space<vmem>>, vector<1x16xf32>,
        %get3A_143 = vector.shape_cast %get3A_142 : vector<1x16xf32> to vector<16xf32>
        %get3A_144 = arith.index_cast %squeeze3A : i32 to index
        %get3A_145 = arith.constant 32 : index
        %get3A_146 = tpu.vector_load %arg9[%get3A_144, %get3A_145] {strides = array<i32>} : memref<1440x64xf32, #tpu.memory_space<vmem>>, vector<1x16xf32>,
        %get3A_147 = vector.shape_cast %get3A_146 : vector<1x16xf32> to vector<16xf32>
        %get3A_148 = arith.index_cast %squeeze3A : i32 to index
        %get3A_149 = arith.constant 48 : index
        %get3A_150 = tpu.vector_load %arg9[%get3A_148, %get3A_149] {strides = array<i32>} : memref<1440x64xf32, #tpu.memory_space<vmem>>, vector<1x16xf32>,
        %get3A_151 = vector.shape_cast %get3A_150 : vector<1x16xf32> to vector<16xf32>
        %slice3A_152 = vector.extract_strided_slice %get3A_135 {offsets = [1], sizes = [1], strides = [1]} : vector<16xi32> to vector<1xi32>
        %squeeze3A_153 = vector.extract %slice3A_152[0] : i32 from vector<1xi32>
        %get3A_154 = arith.index_cast %squeeze3A_153 : i32 to index
        %get3A_155 = arith.constant 0 : index
        %get3A_156 = tpu.vector_load %arg9[%get3A_154, %get3A_155] {strides = array<i32>} : memref<1440x64xf32, #tpu.memory_space<vmem>>, vector<1x16xf32>,
        %get3A_157 = vector.shape_cast %get3A_156 : vector<1x16xf32> to vector<16xf32>
        %get3A_158 = arith.index_cast %squeeze3A_153 : i32 to index
        %get3A_159 = arith.constant 16 : index
        %get3A_160 = tpu.vector_load %arg9[%get3A_158, %get3A_159] {strides = array<i32>} : memref<1440x64xf32, #tpu.memory_space<vmem>>, vector<1x16xf32>,
        %get3A_161 = vector.shape_cast %get3A_160 : vector<1x16xf32> to vector<16xf32>
        %get3A_162 = arith.index_cast %squeeze3A_153 : i32 to index
        %get3A_163 = arith.constant 32 : index
        %get3A_164 = tpu.vector_load %arg9[%get3A_162, %get3A_163] {strides = array<i32>} : memref<1440x64xf32, #tpu.memory_space<vmem>>, vector<1x16xf32>,
        %get3A_165 = vector.shape_cast %get3A_164 : vector<1x16xf32> to vector<16xf32>
        %get3A_166 = arith.index_cast %squeeze3A_153 : i32 to index
        %get3A_167 = arith.constant 48 : index
        %get3A_168 = tpu.vector_load %arg9[%get3A_166, %get3A_167] {strides = array<i32>} : memref<1440x64xf32, #tpu.memory_space<vmem>>, vector<1x16xf32>,
        %get3A_169 = vector.shape_cast %get3A_168 : vector<1x16xf32> to vector<16xf32>
        %slice3A_170 = vector.extract_strided_slice %get3A_135 {offsets = [2], sizes = [1], strides = [1]} : vector<16xi32> to vector<1xi32>
        %squeeze3A_171 = vector.extract %slice3A_170[0] : i32 from vector<1xi32>
        %get3A_172 = arith.index_cast %squeeze3A_171 : i32 to index
        %get3A_173 = arith.constant 0 : index
        %get3A_174 = tpu.vector_load %arg9[%get3A_172, %get3A_173] {strides = array<i32>} : memref<1440x64xf32, #tpu.memory_space<vmem>>, vector<1x16xf32>,
        %get3A_175 = vector.shape_cast %get3A_174 : vector<1x16xf32> to vector<16xf32>
        %get3A_176 = arith.index_cast %squeeze3A_171 : i32 to index
        %get3A_177 = arith.constant 16 : index
        %get3A_178 = tpu.vector_load %arg9[%get3A_176, %get3A_177] {strides = array<i32>} : memref<1440x64xf32, #tpu.memory_space<vmem>>, vector<1x16xf32>,
        %get3A_179 = vector.shape_cast %get3A_178 : vector<1x16xf32> to vector<16xf32>
        %get3A_180 = arith.index_cast %squeeze3A_171 : i32 to index
        %get3A_181 = arith.constant 32 : index
        %get3A_182 = tpu.vector_load %arg9[%get3A_180, %get3A_181] {strides = array<i32>} : memref<1440x64xf32, #tpu.memory_space<vmem>>, vector<1x16xf32>,
        %get3A_183 = vector.shape_cast %get3A_182 : vector<1x16xf32> to vector<16xf32>
        %get3A_184 = arith.index_cast %squeeze3A_171 : i32 to index
        %get3A_185 = arith.constant 48 : index
        %get3A_186 = tpu.vector_load %arg9[%get3A_184, %get3A_185] {strides = array<i32>} : memref<1440x64xf32, #tpu.memory_space<vmem>>, vector<1x16xf32>,
        %get3A_187 = vector.shape_cast %get3A_186 : vector<1x16xf32> to vector<16xf32>
        %slice3A_188 = vector.extract_strided_slice %get3A_135 {offsets = [3], sizes = [1], strides = [1]} : vector<16xi32> to vector<1xi32>
        %squeeze3A_189 = vector.extract %slice3A_188[0] : i32 from vector<1xi32>
        %get3A_190 = arith.index_cast %squeeze3A_189 : i32 to index
        %get3A_191 = arith.constant 0 : index
        %get3A_192 = tpu.vector_load %arg9[%get3A_190, %get3A_191] {strides = array<i32>} : memref<1440x64xf32, #tpu.memory_space<vmem>>, vector<1x16xf32>,
        %get3A_193 = vector.shape_cast %get3A_192 : vector<1x16xf32> to vector<16xf32>
        %get3A_194 = arith.index_cast %squeeze3A_189 : i32 to index
        %get3A_195 = arith.constant 16 : index
        %get3A_196 = tpu.vector_load %arg9[%get3A_194, %get3A_195] {strides = array<i32>} : memref<1440x64xf32, #tpu.memory_space<vmem>>, vector<1x16xf32>,
        %get3A_197 = vector.shape_cast %get3A_196 : vector<1x16xf32> to vector<16xf32>
        %get3A_198 = arith.index_cast %squeeze3A_189 : i32 to index
        %get3A_199 = arith.constant 32 : index
        %get3A_200 = tpu.vector_load %arg9[%get3A_198, %get3A_199] {strides = array<i32>} : memref<1440x64xf32, #tpu.memory_space<vmem>>, vector<1x16xf32>,
        %get3A_201 = vector.shape_cast %get3A_200 : vector<1x16xf32> to vector<16xf32>
        %get3A_202 = arith.index_cast %squeeze3A_189 : i32 to index
        %get3A_203 = arith.constant 48 : index
        %get3A_204 = tpu.vector_load %arg9[%get3A_202, %get3A_203] {strides = array<i32>} : memref<1440x64xf32, #tpu.memory_space<vmem>>, vector<1x16xf32>,
        %get3A_205 = vector.shape_cast %get3A_204 : vector<1x16xf32> to vector<16xf32>
        %mul3A_206 = arith.constant 16 : i32
        %mul3A_207 = arith.muli %scan3A_129, %mul3A_206 : i32
        %add3A_208 = arith.constant 64 : i32
        %add3A_209 = arith.addi %add3A_208, %mul3A_207 : i32
        %add3A_210 = arith.constant 0 : i32
        %add3A_211 = arith.addi %add3A_209, %add3A_210 : i32
        %add3A_212 = arith.constant 0 : i32
        %add3A_213 = arith.addi %add3A_211, %add3A_212 : i32
        %swap3A = arith.index_cast %add3A_213 : i32 to index
        %swap3A_214 = arith.constant 0 : index
        %swap3A_215 = tpu.vector_load %arg7[%swap3A, %swap3A_214] {strides = array<i32>} : memref<160x64xf32, #tpu.memory_space<vmem>>, vector<1x16xf32>,
        %swap3A_216 = vector.shape_cast %swap3A_215 : vector<1x16xf32> to vector<16xf32>
        %swap3A_217 = vector.shape_cast %get3A_139 : vector<16xf32> to vector<1x16xf32>
        tpu.vector_store %arg7[%swap3A, %swap3A_214], %swap3A_217 {strides = array<i32>} : memref<160x64xf32, #tpu.memory_space<vmem>>, vector<1x16xf32>,
        %swap3A_218 = arith.index_cast %add3A_213 : i32 to index
        %swap3A_219 = arith.constant 16 : index
        %swap3A_220 = tpu.vector_load %arg7[%swap3A_218, %swap3A_219] {strides = array<i32>} : memref<160x64xf32, #tpu.memory_space<vmem>>, vector<1x16xf32>,
        %swap3A_221 = vector.shape_cast %swap3A_220 : vector<1x16xf32> to vector<16xf32>
        %swap3A_222 = vector.shape_cast %get3A_143 : vector<16xf32> to vector<1x16xf32>
        tpu.vector_store %arg7[%swap3A_218, %swap3A_219], %swap3A_222 {strides = array<i32>} : memref<160x64xf32, #tpu.memory_space<vmem>>, vector<1x16xf32>,
        %swap3A_223 = arith.index_cast %add3A_213 : i32 to index
        %swap3A_224 = arith.constant 32 : index
        %swap3A_225 = tpu.vector_load %arg7[%swap3A_223, %swap3A_224] {strides = array<i32>} : memref<160x64xf32, #tpu.memory_space<vmem>>, vector<1x16xf32>,
        %swap3A_226 = vector.shape_cast %swap3A_225 : vector<1x16xf32> to vector<16xf32>
        %swap3A_227 = vector.shape_cast %get3A_147 : vector<16xf32> to vector<1x16xf32>
        tpu.vector_store %arg7[%swap3A_223, %swap3A_224], %swap3A_227 {strides = array<i32>} : memref<160x64xf32, #tpu.memory_space<vmem>>, vector<1x16xf32>,
        %swap3A_228 = arith.index_cast %add3A_213 : i32 to index
        %swap3A_229 = arith.constant 48 : index
        %swap3A_230 = tpu.vector_load %arg7[%swap3A_228, %swap3A_229] {strides = array<i32>} : memref<160x64xf32, #tpu.memory_space<vmem>>, vector<1x16xf32>,
        %swap3A_231 = vector.shape_cast %swap3A_230 : vector<1x16xf32> to vector<16xf32>
        %swap3A_232 = vector.shape_cast %get3A_151 : vector<16xf32> to vector<1x16xf32>
        tpu.vector_store %arg7[%swap3A_228, %swap3A_229], %swap3A_232 {strides = array<i32>} : memref<160x64xf32, #tpu.memory_space<vmem>>, vector<1x16xf32>,
        %mul3A_233 = arith.constant 16 : i32
        %mul3A_234 = arith.muli %scan3A_129, %mul3A_233 : i32
        %add3A_235 = arith.constant 64 : i32
        %add3A_236 = arith.addi %add3A_235, %mul3A_234 : i32
        %add3A_237 = arith.constant 0 : i32
        %add3A_238 = arith.addi %add3A_236, %add3A_237 : i32
        %add3A_239 = arith.constant 1 : i32
        %add3A_240 = arith.addi %add3A_238, %add3A_239 : i32
        %swap3A_241 = arith.index_cast %add3A_240 : i32 to index
        %swap3A_242 = arith.constant 0 : index
        %swap3A_243 = tpu.vector_load %arg7[%swap3A_241, %swap3A_242] {strides = array<i32>} : memref<160x64xf32, #tpu.memory_space<vmem>>, vector<1x16xf32>,
        %swap3A_244 = vector.shape_cast %swap3A_243 : vector<1x16xf32> to vector<16xf32>
        %swap3A_245 = vector.shape_cast %get3A_157 : vector<16xf32> to vector<1x16xf32>
        tpu.vector_store %arg7[%swap3A_241, %swap3A_242], %swap3A_245 {strides = array<i32>} : memref<160x64xf32, #tpu.memory_space<vmem>>, vector<1x16xf32>,
        %swap3A_246 = arith.index_cast %add3A_240 : i32 to index
        %swap3A_247 = arith.constant 16 : index
        %swap3A_248 = tpu.vector_load %arg7[%swap3A_246, %swap3A_247] {strides = array<i32>} : memref<160x64xf32, #tpu.memory_space<vmem>>, vector<1x16xf32>,
        %swap3A_249 = vector.shape_cast %swap3A_248 : vector<1x16xf32> to vector<16xf32>
        %swap3A_250 = vector.shape_cast %get3A_161 : vector<16xf32> to vector<1x16xf32>
        tpu.vector_store %arg7[%swap3A_246, %swap3A_247], %swap3A_250 {strides = array<i32>} : memref<160x64xf32, #tpu.memory_space<vmem>>, vector<1x16xf32>,
        %swap3A_251 = arith.index_cast %add3A_240 : i32 to index
        %swap3A_252 = arith.constant 32 : index
        %swap3A_253 = tpu.vector_load %arg7[%swap3A_251, %swap3A_252] {strides = array<i32>} : memref<160x64xf32, #tpu.memory_space<vmem>>, vector<1x16xf32>,
        %swap3A_254 = vector.shape_cast %swap3A_253 : vector<1x16xf32> to vector<16xf32>
        %swap3A_255 = vector.shape_cast %get3A_165 : vector<16xf32> to vector<1x16xf32>
        tpu.vector_store %arg7[%swap3A_251, %swap3A_252], %swap3A_255 {strides = array<i32>} : memref<160x64xf32, #tpu.memory_space<vmem>>, vector<1x16xf32>,
        %swap3A_256 = arith.index_cast %add3A_240 : i32 to index
        %swap3A_257 = arith.constant 48 : index
        %swap3A_258 = tpu.vector_load %arg7[%swap3A_256, %swap3A_257] {strides = array<i32>} : memref<160x64xf32, #tpu.memory_space<vmem>>, vector<1x16xf32>,
        %swap3A_259 = vector.shape_cast %swap3A_258 : vector<1x16xf32> to vector<16xf32>
        %swap3A_260 = vector.shape_cast %get3A_169 : vector<16xf32> to vector<1x16xf32>
        tpu.vector_store %arg7[%swap3A_256, %swap3A_257], %swap3A_260 {strides = array<i32>} : memref<160x64xf32, #tpu.memory_space<vmem>>, vector<1x16xf32>,
        %mul3A_261 = arith.constant 16 : i32
        %mul3A_262 = arith.muli %scan3A_129, %mul3A_261 : i32
        %add3A_263 = arith.constant 64 : i32
        %add3A_264 = arith.addi %add3A_263, %mul3A_262 : i32
        %add3A_265 = arith.constant 0 : i32
        %add3A_266 = arith.addi %add3A_264, %add3A_265 : i32
        %add3A_267 = arith.constant 2 : i32
        %add3A_268 = arith.addi %add3A_266, %add3A_267 : i32
        %swap3A_269 = arith.index_cast %add3A_268 : i32 to index
        %swap3A_270 = arith.constant 0 : index
        %swap3A_271 = tpu.vector_load %arg7[%swap3A_269, %swap3A_270] {strides = array<i32>} : memref<160x64xf32, #tpu.memory_space<vmem>>, vector<1x16xf32>,
        %swap3A_272 = vector.shape_cast %swap3A_271 : vector<1x16xf32> to vector<16xf32>
        %swap3A_273 = vector.shape_cast %get3A_175 : vector<16xf32> to vector<1x16xf32>
        tpu.vector_store %arg7[%swap3A_269, %swap3A_270], %swap3A_273 {strides = array<i32>} : memref<160x64xf32, #tpu.memory_space<vmem>>, vector<1x16xf32>,
        %swap3A_274 = arith.index_cast %add3A_268 : i32 to index
        %swap3A_275 = arith.constant 16 : index
        %swap3A_276 = tpu.vector_load %arg7[%swap3A_274, %swap3A_275] {strides = array<i32>} : memref<160x64xf32, #tpu.memory_space<vmem>>, vector<1x16xf32>,
        %swap3A_277 = vector.shape_cast %swap3A_276 : vector<1x16xf32> to vector<16xf32>
        %swap3A_278 = vector.shape_cast %get3A_179 : vector<16xf32> to vector<1x16xf32>
        tpu.vector_store %arg7[%swap3A_274, %swap3A_275], %swap3A_278 {strides = array<i32>} : memref<160x64xf32, #tpu.memory_space<vmem>>, vector<1x16xf32>,
        %swap3A_279 = arith.index_cast %add3A_268 : i32 to index
        %swap3A_280 = arith.constant 32 : index
        %swap3A_281 = tpu.vector_load %arg7[%swap3A_279, %swap3A_280] {strides = array<i32>} : memref<160x64xf32, #tpu.memory_space<vmem>>, vector<1x16xf32>,
        %swap3A_282 = vector.shape_cast %swap3A_281 : vector<1x16xf32> to vector<16xf32>
        %swap3A_283 = vector.shape_cast %get3A_183 : vector<16xf32> to vector<1x16xf32>
        tpu.vector_store %arg7[%swap3A_279, %swap3A_280], %swap3A_283 {strides = array<i32>} : memref<160x64xf32, #tpu.memory_space<vmem>>, vector<1x16xf32>,
        %swap3A_284 = arith.index_cast %add3A_268 : i32 to index
        %swap3A_285 = arith.constant 48 : index
        %swap3A_286 = tpu.vector_load %arg7[%swap3A_284, %swap3A_285] {strides = array<i32>} : memref<160x64xf32, #tpu.memory_space<vmem>>, vector<1x16xf32>,
        %swap3A_287 = vector.shape_cast %swap3A_286 : vector<1x16xf32> to vector<16xf32>
        %swap3A_288 = vector.shape_cast %get3A_187 : vector<16xf32> to vector<1x16xf32>
        tpu.vector_store %arg7[%swap3A_284, %swap3A_285], %swap3A_288 {strides = array<i32>} : memref<160x64xf32, #tpu.memory_space<vmem>>, vector<1x16xf32>,
        %mul3A_289 = arith.constant 16 : i32
        %mul3A_290 = arith.muli %scan3A_129, %mul3A_289 : i32
        %add3A_291 = arith.constant 64 : i32
        %add3A_292 = arith.addi %add3A_291, %mul3A_290 : i32
        %add3A_293 = arith.constant 0 : i32
        %add3A_294 = arith.addi %add3A_292, %add3A_293 : i32
        %add3A_295 = arith.constant 3 : i32
        %add3A_296 = arith.addi %add3A_294, %add3A_295 : i32
        %swap3A_297 = arith.index_cast %add3A_296 : i32 to index
        %swap3A_298 = arith.constant 0 : index
        %swap3A_299 = tpu.vector_load %arg7[%swap3A_297, %swap3A_298] {strides = array<i32>} : memref<160x64xf32, #tpu.memory_space<vmem>>, vector<1x16xf32>,
        %swap3A_300 = vector.shape_cast %swap3A_299 : vector<1x16xf32> to vector<16xf32>
        %swap3A_301 = vector.shape_cast %get3A_193 : vector<16xf32> to vector<1x16xf32>
        tpu.vector_store %arg7[%swap3A_297, %swap3A_298], %swap3A_301 {strides = array<i32>} : memref<160x64xf32, #tpu.memory_space<vmem>>, vector<1x16xf32>,
        %swap3A_302 = arith.index_cast %add3A_296 : i32 to index
        %swap3A_303 = arith.constant 16 : index
        %swap3A_304 = tpu.vector_load %arg7[%swap3A_302, %swap3A_303] {strides = array<i32>} : memref<160x64xf32, #tpu.memory_space<vmem>>, vector<1x16xf32>,
        %swap3A_305 = vector.shape_cast %swap3A_304 : vector<1x16xf32> to vector<16xf32>
        %swap3A_306 = vector.shape_cast %get3A_197 : vector<16xf32> to vector<1x16xf32>
        tpu.vector_store %arg7[%swap3A_302, %swap3A_303], %swap3A_306 {strides = array<i32>} : memref<160x64xf32, #tpu.memory_space<vmem>>, vector<1x16xf32>,
        %swap3A_307 = arith.index_cast %add3A_296 : i32 to index
        %swap3A_308 = arith.constant 32 : index
        %swap3A_309 = tpu.vector_load %arg7[%swap3A_307, %swap3A_308] {strides = array<i32>} : memref<160x64xf32, #tpu.memory_space<vmem>>, vector<1x16xf32>,
        %swap3A_310 = vector.shape_cast %swap3A_309 : vector<1x16xf32> to vector<16xf32>
        %swap3A_311 = vector.shape_cast %get3A_201 : vector<16xf32> to vector<1x16xf32>
        tpu.vector_store %arg7[%swap3A_307, %swap3A_308], %swap3A_311 {strides = array<i32>} : memref<160x64xf32, #tpu.memory_space<vmem>>, vector<1x16xf32>,
        %swap3A_312 = arith.index_cast %add3A_296 : i32 to index
        %swap3A_313 = arith.constant 48 : index
        %swap3A_314 = tpu.vector_load %arg7[%swap3A_312, %swap3A_313] {strides = array<i32>} : memref<160x64xf32, #tpu.memory_space<vmem>>, vector<1x16xf32>,
        %swap3A_315 = vector.shape_cast %swap3A_314 : vector<1x16xf32> to vector<16xf32>
        %swap3A_316 = vector.shape_cast %get3A_205 : vector<16xf32> to vector<1x16xf32>
        tpu.vector_store %arg7[%swap3A_312, %swap3A_313], %swap3A_316 {strides = array<i32>} : memref<160x64xf32, #tpu.memory_space<vmem>>, vector<1x16xf32>,
        %slice3A_317 = vector.extract_strided_slice %get3A_135 {offsets = [4], sizes = [1], strides = [1]} : vector<16xi32> to vector<1xi32>
        %squeeze3A_318 = vector.extract %slice3A_317[0] : i32 from vector<1xi32>
        %get3A_319 = arith.index_cast %squeeze3A_318 : i32 to index
        %get3A_320 = arith.constant 0 : index
        %get3A_321 = tpu.vector_load %arg9[%get3A_319, %get3A_320] {strides = array<i32>} : memref<1440x64xf32, #tpu.memory_space<vmem>>, vector<1x16xf32>,
        %get3A_322 = vector.shape_cast %get3A_321 : vector<1x16xf32> to vector<16xf32>
        %get3A_323 = arith.index_cast %squeeze3A_318 : i32 to index
        %get3A_324 = arith.constant 16 : index
        %get3A_325 = tpu.vector_load %arg9[%get3A_323, %get3A_324] {strides = array<i32>} : memref<1440x64xf32, #tpu.memory_space<vmem>>, vector<1x16xf32>,
        %get3A_326 = vector.shape_cast %get3A_325 : vector<1x16xf32> to vector<16xf32>
        %get3A_327 = arith.index_cast %squeeze3A_318 : i32 to index
        %get3A_328 = arith.constant 32 : index
        %get3A_329 = tpu.vector_load %arg9[%get3A_327, %get3A_328] {strides = array<i32>} : memref<1440x64xf32, #tpu.memory_space<vmem>>, vector<1x16xf32>,
        %get3A_330 = vector.shape_cast %get3A_329 : vector<1x16xf32> to vector<16xf32>
        %get3A_331 = arith.index_cast %squeeze3A_318 : i32 to index
        %get3A_332 = arith.constant 48 : index
        %get3A_333 = tpu.vector_load %arg9[%get3A_331, %get3A_332] {strides = array<i32>} : memref<1440x64xf32, #tpu.memory_space<vmem>>, vector<1x16xf32>,
        %get3A_334 = vector.shape_cast %get3A_333 : vector<1x16xf32> to vector<16xf32>
        %slice3A_335 = vector.extract_strided_slice %get3A_135 {offsets = [5], sizes = [1], strides = [1]} : vector<16xi32> to vector<1xi32>
        %squeeze3A_336 = vector.extract %slice3A_335[0] : i32 from vector<1xi32>
        %get3A_337 = arith.index_cast %squeeze3A_336 : i32 to index
        %get3A_338 = arith.constant 0 : index
        %get3A_339 = tpu.vector_load %arg9[%get3A_337, %get3A_338] {strides = array<i32>} : memref<1440x64xf32, #tpu.memory_space<vmem>>, vector<1x16xf32>,
        %get3A_340 = vector.shape_cast %get3A_339 : vector<1x16xf32> to vector<16xf32>
        %get3A_341 = arith.index_cast %squeeze3A_336 : i32 to index
        %get3A_342 = arith.constant 16 : index
        %get3A_343 = tpu.vector_load %arg9[%get3A_341, %get3A_342] {strides = array<i32>} : memref<1440x64xf32, #tpu.memory_space<vmem>>, vector<1x16xf32>,
        %get3A_344 = vector.shape_cast %get3A_343 : vector<1x16xf32> to vector<16xf32>
        %get3A_345 = arith.index_cast %squeeze3A_336 : i32 to index
        %get3A_346 = arith.constant 32 : index
        %get3A_347 = tpu.vector_load %arg9[%get3A_345, %get3A_346] {strides = array<i32>} : memref<1440x64xf32, #tpu.memory_space<vmem>>, vector<1x16xf32>,
        %get3A_348 = vector.shape_cast %get3A_347 : vector<1x16xf32> to vector<16xf32>
        %get3A_349 = arith.index_cast %squeeze3A_336 : i32 to index
        %get3A_350 = arith.constant 48 : index
        %get3A_351 = tpu.vector_load %arg9[%get3A_349, %get3A_350] {strides = array<i32>} : memref<1440x64xf32, #tpu.memory_space<vmem>>, vector<1x16xf32>,
        %get3A_352 = vector.shape_cast %get3A_351 : vector<1x16xf32> to vector<16xf32>
        %slice3A_353 = vector.extract_strided_slice %get3A_135 {offsets = [6], sizes = [1], strides = [1]} : vector<16xi32> to vector<1xi32>
        %squeeze3A_354 = vector.extract %slice3A_353[0] : i32 from vector<1xi32>
        %get3A_355 = arith.index_cast %squeeze3A_354 : i32 to index
        %get3A_356 = arith.constant 0 : index
        %get3A_357 = tpu.vector_load %arg9[%get3A_355, %get3A_356] {strides = array<i32>} : memref<1440x64xf32, #tpu.memory_space<vmem>>, vector<1x16xf32>,
        %get3A_358 = vector.shape_cast %get3A_357 : vector<1x16xf32> to vector<16xf32>
        %get3A_359 = arith.index_cast %squeeze3A_354 : i32 to index
        %get3A_360 = arith.constant 16 : index
        %get3A_361 = tpu.vector_load %arg9[%get3A_359, %get3A_360] {strides = array<i32>} : memref<1440x64xf32, #tpu.memory_space<vmem>>, vector<1x16xf32>,
        %get3A_362 = vector.shape_cast %get3A_361 : vector<1x16xf32> to vector<16xf32>
        %get3A_363 = arith.index_cast %squeeze3A_354 : i32 to index
        %get3A_364 = arith.constant 32 : index
        %get3A_365 = tpu.vector_load %arg9[%get3A_363, %get3A_364] {strides = array<i32>} : memref<1440x64xf32, #tpu.memory_space<vmem>>, vector<1x16xf32>,
        %get3A_366 = vector.shape_cast %get3A_365 : vector<1x16xf32> to vector<16xf32>
        %get3A_367 = arith.index_cast %squeeze3A_354 : i32 to index
        %get3A_368 = arith.constant 48 : index
        %get3A_369 = tpu.vector_load %arg9[%get3A_367, %get3A_368] {strides = array<i32>} : memref<1440x64xf32, #tpu.memory_space<vmem>>, vector<1x16xf32>,
        %get3A_370 = vector.shape_cast %get3A_369 : vector<1x16xf32> to vector<16xf32>
        %slice3A_371 = vector.extract_strided_slice %get3A_135 {offsets = [7], sizes = [1], strides = [1]} : vector<16xi32> to vector<1xi32>
        %squeeze3A_372 = vector.extract %slice3A_371[0] : i32 from vector<1xi32>
        %get3A_373 = arith.index_cast %squeeze3A_372 : i32 to index
        %get3A_374 = arith.constant 0 : index
        %get3A_375 = tpu.vector_load %arg9[%get3A_373, %get3A_374] {strides = array<i32>} : memref<1440x64xf32, #tpu.memory_space<vmem>>, vector<1x16xf32>,
        %get3A_376 = vector.shape_cast %get3A_375 : vector<1x16xf32> to vector<16xf32>
        %get3A_377 = arith.index_cast %squeeze3A_372 : i32 to index
        %get3A_378 = arith.constant 16 : index
        %get3A_379 = tpu.vector_load %arg9[%get3A_377, %get3A_378] {strides = array<i32>} : memref<1440x64xf32, #tpu.memory_space<vmem>>, vector<1x16xf32>,
        %get3A_380 = vector.shape_cast %get3A_379 : vector<1x16xf32> to vector<16xf32>
        %get3A_381 = arith.index_cast %squeeze3A_372 : i32 to index
        %get3A_382 = arith.constant 32 : index
        %get3A_383 = tpu.vector_load %arg9[%get3A_381, %get3A_382] {strides = array<i32>} : memref<1440x64xf32, #tpu.memory_space<vmem>>, vector<1x16xf32>,
        %get3A_384 = vector.shape_cast %get3A_383 : vector<1x16xf32> to vector<16xf32>
        %get3A_385 = arith.index_cast %squeeze3A_372 : i32 to index
        %get3A_386 = arith.constant 48 : index
        %get3A_387 = tpu.vector_load %arg9[%get3A_385, %get3A_386] {strides = array<i32>} : memref<1440x64xf32, #tpu.memory_space<vmem>>, vector<1x16xf32>,
        %get3A_388 = vector.shape_cast %get3A_387 : vector<1x16xf32> to vector<16xf32>
        %mul3A_389 = arith.constant 16 : i32
        %mul3A_390 = arith.muli %scan3A_129, %mul3A_389 : i32
        %add3A_391 = arith.constant 64 : i32
        %add3A_392 = arith.addi %add3A_391, %mul3A_390 : i32
        %add3A_393 = arith.constant 4 : i32
        %add3A_394 = arith.addi %add3A_392, %add3A_393 : i32
        %add3A_395 = arith.constant 0 : i32
        %add3A_396 = arith.addi %add3A_394, %add3A_395 : i32
        %swap3A_397 = arith.index_cast %add3A_396 : i32 to index
        %swap3A_398 = arith.constant 0 : index
        %swap3A_399 = tpu.vector_load %arg7[%swap3A_397, %swap3A_398] {strides = array<i32>} : memref<160x64xf32, #tpu.memory_space<vmem>>, vector<1x16xf32>,
        %swap3A_400 = vector.shape_cast %swap3A_399 : vector<1x16xf32> to vector<16xf32>
        %swap3A_401 = vector.shape_cast %get3A_322 : vector<16xf32> to vector<1x16xf32>
        tpu.vector_store %arg7[%swap3A_397, %swap3A_398], %swap3A_401 {strides = array<i32>} : memref<160x64xf32, #tpu.memory_space<vmem>>, vector<1x16xf32>,
        %swap3A_402 = arith.index_cast %add3A_396 : i32 to index
        %swap3A_403 = arith.constant 16 : index
        %swap3A_404 = tpu.vector_load %arg7[%swap3A_402, %swap3A_403] {strides = array<i32>} : memref<160x64xf32, #tpu.memory_space<vmem>>, vector<1x16xf32>,
        %swap3A_405 = vector.shape_cast %swap3A_404 : vector<1x16xf32> to vector<16xf32>
        %swap3A_406 = vector.shape_cast %get3A_326 : vector<16xf32> to vector<1x16xf32>
        tpu.vector_store %arg7[%swap3A_402, %swap3A_403], %swap3A_406 {strides = array<i32>} : memref<160x64xf32, #tpu.memory_space<vmem>>, vector<1x16xf32>,
        %swap3A_407 = arith.index_cast %add3A_396 : i32 to index
        %swap3A_408 = arith.constant 32 : index
        %swap3A_409 = tpu.vector_load %arg7[%swap3A_407, %swap3A_408] {strides = array<i32>} : memref<160x64xf32, #tpu.memory_space<vmem>>, vector<1x16xf32>,
        %swap3A_410 = vector.shape_cast %swap3A_409 : vector<1x16xf32> to vector<16xf32>
        %swap3A_411 = vector.shape_cast %get3A_330 : vector<16xf32> to vector<1x16xf32>
        tpu.vector_store %arg7[%swap3A_407, %swap3A_408], %swap3A_411 {strides = array<i32>} : memref<160x64xf32, #tpu.memory_space<vmem>>, vector<1x16xf32>,
        %swap3A_412 = arith.index_cast %add3A_396 : i32 to index
        %swap3A_413 = arith.constant 48 : index
        %swap3A_414 = tpu.vector_load %arg7[%swap3A_412, %swap3A_413] {strides = array<i32>} : memref<160x64xf32, #tpu.memory_space<vmem>>, vector<1x16xf32>,
        %swap3A_415 = vector.shape_cast %swap3A_414 : vector<1x16xf32> to vector<16xf32>
        %swap3A_416 = vector.shape_cast %get3A_334 : vector<16xf32> to vector<1x16xf32>
        tpu.vector_store %arg7[%swap3A_412, %swap3A_413], %swap3A_416 {strides = array<i32>} : memref<160x64xf32, #tpu.memory_space<vmem>>, vector<1x16xf32>,
        %mul3A_417 = arith.constant 16 : i32
        %mul3A_418 = arith.muli %scan3A_129, %mul3A_417 : i32
        %add3A_419 = arith.constant 64 : i32
        %add3A_420 = arith.addi %add3A_419, %mul3A_418 : i32
        %add3A_421 = arith.constant 4 : i32
        %add3A_422 = arith.addi %add3A_420, %add3A_421 : i32
        %add3A_423 = arith.constant 1 : i32
        %add3A_424 = arith.addi %add3A_422, %add3A_423 : i32
        %swap3A_425 = arith.index_cast %add3A_424 : i32 to index
        %swap3A_426 = arith.constant 0 : index
        %swap3A_427 = tpu.vector_load %arg7[%swap3A_425, %swap3A_426] {strides = array<i32>} : memref<160x64xf32, #tpu.memory_space<vmem>>, vector<1x16xf32>,
        %swap3A_428 = vector.shape_cast %swap3A_427 : vector<1x16xf32> to vector<16xf32>
        %swap3A_429 = vector.shape_cast %get3A_340 : vector<16xf32> to vector<1x16xf32>
        tpu.vector_store %arg7[%swap3A_425, %swap3A_426], %swap3A_429 {strides = array<i32>} : memref<160x64xf32, #tpu.memory_space<vmem>>, vector<1x16xf32>,
        %swap3A_430 = arith.index_cast %add3A_424 : i32 to index
        %swap3A_431 = arith.constant 16 : index
        %swap3A_432 = tpu.vector_load %arg7[%swap3A_430, %swap3A_431] {strides = array<i32>} : memref<160x64xf32, #tpu.memory_space<vmem>>, vector<1x16xf32>,
        %swap3A_433 = vector.shape_cast %swap3A_432 : vector<1x16xf32> to vector<16xf32>
        %swap3A_434 = vector.shape_cast %get3A_344 : vector<16xf32> to vector<1x16xf32>
        tpu.vector_store %arg7[%swap3A_430, %swap3A_431], %swap3A_434 {strides = array<i32>} : memref<160x64xf32, #tpu.memory_space<vmem>>, vector<1x16xf32>,
        %swap3A_435 = arith.index_cast %add3A_424 : i32 to index
        %swap3A_436 = arith.constant 32 : index
        %swap3A_437 = tpu.vector_load %arg7[%swap3A_435, %swap3A_436] {strides = array<i32>} : memref<160x64xf32, #tpu.memory_space<vmem>>, vector<1x16xf32>,
        %swap3A_438 = vector.shape_cast %swap3A_437 : vector<1x16xf32> to vector<16xf32>
        %swap3A_439 = vector.shape_cast %get3A_348 : vector<16xf32> to vector<1x16xf32>
        tpu.vector_store %arg7[%swap3A_435, %swap3A_436], %swap3A_439 {strides = array<i32>} : memref<160x64xf32, #tpu.memory_space<vmem>>, vector<1x16xf32>,
        %swap3A_440 = arith.index_cast %add3A_424 : i32 to index
        %swap3A_441 = arith.constant 48 : index
        %swap3A_442 = tpu.vector_load %arg7[%swap3A_440, %swap3A_441] {strides = array<i32>} : memref<160x64xf32, #tpu.memory_space<vmem>>, vector<1x16xf32>,
        %swap3A_443 = vector.shape_cast %swap3A_442 : vector<1x16xf32> to vector<16xf32>
        %swap3A_444 = vector.shape_cast %get3A_352 : vector<16xf32> to vector<1x16xf32>
        tpu.vector_store %arg7[%swap3A_440, %swap3A_441], %swap3A_444 {strides = array<i32>} : memref<160x64xf32, #tpu.memory_space<vmem>>, vector<1x16xf32>,
        %mul3A_445 = arith.constant 16 : i32
        %mul3A_446 = arith.muli %scan3A_129, %mul3A_445 : i32
        %add3A_447 = arith.constant 64 : i32
        %add3A_448 = arith.addi %add3A_447, %mul3A_446 : i32
        %add3A_449 = arith.constant 4 : i32
        %add3A_450 = arith.addi %add3A_448, %add3A_449 : i32
        %add3A_451 = arith.constant 2 : i32
        %add3A_452 = arith.addi %add3A_450, %add3A_451 : i32
        %swap3A_453 = arith.index_cast %add3A_452 : i32 to index
        %swap3A_454 = arith.constant 0 : index
        %swap3A_455 = tpu.vector_load %arg7[%swap3A_453, %swap3A_454] {strides = array<i32>} : memref<160x64xf32, #tpu.memory_space<vmem>>, vector<1x16xf32>,
        %swap3A_456 = vector.shape_cast %swap3A_455 : vector<1x16xf32> to vector<16xf32>
        %swap3A_457 = vector.shape_cast %get3A_358 : vector<16xf32> to vector<1x16xf32>
        tpu.vector_store %arg7[%swap3A_453, %swap3A_454], %swap3A_457 {strides = array<i32>} : memref<160x64xf32, #tpu.memory_space<vmem>>, vector<1x16xf32>,
        %swap3A_458 = arith.index_cast %add3A_452 : i32 to index
        %swap3A_459 = arith.constant 16 : index
        %swap3A_460 = tpu.vector_load %arg7[%swap3A_458, %swap3A_459] {strides = array<i32>} : memref<160x64xf32, #tpu.memory_space<vmem>>, vector<1x16xf32>,
        %swap3A_461 = vector.shape_cast %swap3A_460 : vector<1x16xf32> to vector<16xf32>
        %swap3A_462 = vector.shape_cast %get3A_362 : vector<16xf32> to vector<1x16xf32>
        tpu.vector_store %arg7[%swap3A_458, %swap3A_459], %swap3A_462 {strides = array<i32>} : memref<160x64xf32, #tpu.memory_space<vmem>>, vector<1x16xf32>,
        %swap3A_463 = arith.index_cast %add3A_452 : i32 to index
        %swap3A_464 = arith.constant 32 : index
        %swap3A_465 = tpu.vector_load %arg7[%swap3A_463, %swap3A_464] {strides = array<i32>} : memref<160x64xf32, #tpu.memory_space<vmem>>, vector<1x16xf32>,
        %swap3A_466 = vector.shape_cast %swap3A_465 : vector<1x16xf32> to vector<16xf32>
        %swap3A_467 = vector.shape_cast %get3A_366 : vector<16xf32> to vector<1x16xf32>
        tpu.vector_store %arg7[%swap3A_463, %swap3A_464], %swap3A_467 {strides = array<i32>} : memref<160x64xf32, #tpu.memory_space<vmem>>, vector<1x16xf32>,
        %swap3A_468 = arith.index_cast %add3A_452 : i32 to index
        %swap3A_469 = arith.constant 48 : index
        %swap3A_470 = tpu.vector_load %arg7[%swap3A_468, %swap3A_469] {strides = array<i32>} : memref<160x64xf32, #tpu.memory_space<vmem>>, vector<1x16xf32>,
        %swap3A_471 = vector.shape_cast %swap3A_470 : vector<1x16xf32> to vector<16xf32>
        %swap3A_472 = vector.shape_cast %get3A_370 : vector<16xf32> to vector<1x16xf32>
        tpu.vector_store %arg7[%swap3A_468, %swap3A_469], %swap3A_472 {strides = array<i32>} : memref<160x64xf32, #tpu.memory_space<vmem>>, vector<1x16xf32>,
        %mul3A_473 = arith.constant 16 : i32
        %mul3A_474 = arith.muli %scan3A_129, %mul3A_473 : i32
        %add3A_475 = arith.constant 64 : i32
        %add3A_476 = arith.addi %add3A_475, %mul3A_474 : i32
        %add3A_477 = arith.constant 4 : i32
        %add3A_478 = arith.addi %add3A_476, %add3A_477 : i32
        %add3A_479 = arith.constant 3 : i32
        %add3A_480 = arith.addi %add3A_478, %add3A_479 : i32
        %swap3A_481 = arith.index_cast %add3A_480 : i32 to index
        %swap3A_482 = arith.constant 0 : index
        %swap3A_483 = tpu.vector_load %arg7[%swap3A_481, %swap3A_482] {strides = array<i32>} : memref<160x64xf32, #tpu.memory_space<vmem>>, vector<1x16xf32>,
        %swap3A_484 = vector.shape_cast %swap3A_483 : vector<1x16xf32> to vector<16xf32>
        %swap3A_485 = vector.shape_cast %get3A_376 : vector<16xf32> to vector<1x16xf32>
        tpu.vector_store %arg7[%swap3A_481, %swap3A_482], %swap3A_485 {strides = array<i32>} : memref<160x64xf32, #tpu.memory_space<vmem>>, vector<1x16xf32>,
        %swap3A_486 = arith.index_cast %add3A_480 : i32 to index
        %swap3A_487 = arith.constant 16 : index
        %swap3A_488 = tpu.vector_load %arg7[%swap3A_486, %swap3A_487] {strides = array<i32>} : memref<160x64xf32, #tpu.memory_space<vmem>>, vector<1x16xf32>,
        %swap3A_489 = vector.shape_cast %swap3A_488 : vector<1x16xf32> to vector<16xf32>
        %swap3A_490 = vector.shape_cast %get3A_380 : vector<16xf32> to vector<1x16xf32>
        tpu.vector_store %arg7[%swap3A_486, %swap3A_487], %swap3A_490 {strides = array<i32>} : memref<160x64xf32, #tpu.memory_space<vmem>>, vector<1x16xf32>,
        %swap3A_491 = arith.index_cast %add3A_480 : i32 to index
        %swap3A_492 = arith.constant 32 : index
        %swap3A_493 = tpu.vector_load %arg7[%swap3A_491, %swap3A_492] {strides = array<i32>} : memref<160x64xf32, #tpu.memory_space<vmem>>, vector<1x16xf32>,
        %swap3A_494 = vector.shape_cast %swap3A_493 : vector<1x16xf32> to vector<16xf32>
        %swap3A_495 = vector.shape_cast %get3A_384 : vector<16xf32> to vector<1x16xf32>
        tpu.vector_store %arg7[%swap3A_491, %swap3A_492], %swap3A_495 {strides = array<i32>} : memref<160x64xf32, #tpu.memory_space<vmem>>, vector<1x16xf32>,
        %swap3A_496 = arith.index_cast %add3A_480 : i32 to index
        %swap3A_497 = arith.constant 48 : index
        %swap3A_498 = tpu.vector_load %arg7[%swap3A_496, %swap3A_497] {strides = array<i32>} : memref<160x64xf32, #tpu.memory_space<vmem>>, vector<1x16xf32>,
        %swap3A_499 = vector.shape_cast %swap3A_498 : vector<1x16xf32> to vector<16xf32>
        %swap3A_500 = vector.shape_cast %get3A_388 : vector<16xf32> to vector<1x16xf32>
        tpu.vector_store %arg7[%swap3A_496, %swap3A_497], %swap3A_500 {strides = array<i32>} : memref<160x64xf32, #tpu.memory_space<vmem>>, vector<1x16xf32>,
        %slice3A_501 = vector.extract_strided_slice %get3A_135 {offsets = [8], sizes = [1], strides = [1]} : vector<16xi32> to vector<1xi32>
        %squeeze3A_502 = vector.extract %slice3A_501[0] : i32 from vector<1xi32>
        %get3A_503 = arith.index_cast %squeeze3A_502 : i32 to index
        %get3A_504 = arith.constant 0 : index
        %get3A_505 = tpu.vector_load %arg9[%get3A_503, %get3A_504] {strides = array<i32>} : memref<1440x64xf32, #tpu.memory_space<vmem>>, vector<1x16xf32>,
        %get3A_506 = vector.shape_cast %get3A_505 : vector<1x16xf32> to vector<16xf32>
        %get3A_507 = arith.index_cast %squeeze3A_502 : i32 to index
        %get3A_508 = arith.constant 16 : index
        %get3A_509 = tpu.vector_load %arg9[%get3A_507, %get3A_508] {strides = array<i32>} : memref<1440x64xf32, #tpu.memory_space<vmem>>, vector<1x16xf32>,
        %get3A_510 = vector.shape_cast %get3A_509 : vector<1x16xf32> to vector<16xf32>
        %get3A_511 = arith.index_cast %squeeze3A_502 : i32 to index
        %get3A_512 = arith.constant 32 : index
        %get3A_513 = tpu.vector_load %arg9[%get3A_511, %get3A_512] {strides = array<i32>} : memref<1440x64xf32, #tpu.memory_space<vmem>>, vector<1x16xf32>,
        %get3A_514 = vector.shape_cast %get3A_513 : vector<1x16xf32> to vector<16xf32>
        %get3A_515 = arith.index_cast %squeeze3A_502 : i32 to index
        %get3A_516 = arith.constant 48 : index
        %get3A_517 = tpu.vector_load %arg9[%get3A_515, %get3A_516] {strides = array<i32>} : memref<1440x64xf32, #tpu.memory_space<vmem>>, vector<1x16xf32>,
        %get3A_518 = vector.shape_cast %get3A_517 : vector<1x16xf32> to vector<16xf32>
        %slice3A_519 = vector.extract_strided_slice %get3A_135 {offsets = [9], sizes = [1], strides = [1]} : vector<16xi32> to vector<1xi32>
        %squeeze3A_520 = vector.extract %slice3A_519[0] : i32 from vector<1xi32>
        %get3A_521 = arith.index_cast %squeeze3A_520 : i32 to index
        %get3A_522 = arith.constant 0 : index
        %get3A_523 = tpu.vector_load %arg9[%get3A_521, %get3A_522] {strides = array<i32>} : memref<1440x64xf32, #tpu.memory_space<vmem>>, vector<1x16xf32>,
        %get3A_524 = vector.shape_cast %get3A_523 : vector<1x16xf32> to vector<16xf32>
        %get3A_525 = arith.index_cast %squeeze3A_520 : i32 to index
        %get3A_526 = arith.constant 16 : index
        %get3A_527 = tpu.vector_load %arg9[%get3A_525, %get3A_526] {strides = array<i32>} : memref<1440x64xf32, #tpu.memory_space<vmem>>, vector<1x16xf32>,
        %get3A_528 = vector.shape_cast %get3A_527 : vector<1x16xf32> to vector<16xf32>
        %get3A_529 = arith.index_cast %squeeze3A_520 : i32 to index
        %get3A_530 = arith.constant 32 : index
        %get3A_531 = tpu.vector_load %arg9[%get3A_529, %get3A_530] {strides = array<i32>} : memref<1440x64xf32, #tpu.memory_space<vmem>>, vector<1x16xf32>,
        %get3A_532 = vector.shape_cast %get3A_531 : vector<1x16xf32> to vector<16xf32>
        %get3A_533 = arith.index_cast %squeeze3A_520 : i32 to index
        %get3A_534 = arith.constant 48 : index
        %get3A_535 = tpu.vector_load %arg9[%get3A_533, %get3A_534] {strides = array<i32>} : memref<1440x64xf32, #tpu.memory_space<vmem>>, vector<1x16xf32>,
        %get3A_536 = vector.shape_cast %get3A_535 : vector<1x16xf32> to vector<16xf32>
        %slice3A_537 = vector.extract_strided_slice %get3A_135 {offsets = [10], sizes = [1], strides = [1]} : vector<16xi32> to vector<1xi32>
        %squeeze3A_538 = vector.extract %slice3A_537[0] : i32 from vector<1xi32>
        %get3A_539 = arith.index_cast %squeeze3A_538 : i32 to index
        %get3A_540 = arith.constant 0 : index
        %get3A_541 = tpu.vector_load %arg9[%get3A_539, %get3A_540] {strides = array<i32>} : memref<1440x64xf32, #tpu.memory_space<vmem>>, vector<1x16xf32>,
        %get3A_542 = vector.shape_cast %get3A_541 : vector<1x16xf32> to vector<16xf32>
        %get3A_543 = arith.index_cast %squeeze3A_538 : i32 to index
        %get3A_544 = arith.constant 16 : index
        %get3A_545 = tpu.vector_load %arg9[%get3A_543, %get3A_544] {strides = array<i32>} : memref<1440x64xf32, #tpu.memory_space<vmem>>, vector<1x16xf32>,
        %get3A_546 = vector.shape_cast %get3A_545 : vector<1x16xf32> to vector<16xf32>
        %get3A_547 = arith.index_cast %squeeze3A_538 : i32 to index
        %get3A_548 = arith.constant 32 : index
        %get3A_549 = tpu.vector_load %arg9[%get3A_547, %get3A_548] {strides = array<i32>} : memref<1440x64xf32, #tpu.memory_space<vmem>>, vector<1x16xf32>,
        %get3A_550 = vector.shape_cast %get3A_549 : vector<1x16xf32> to vector<16xf32>
        %get3A_551 = arith.index_cast %squeeze3A_538 : i32 to index
        %get3A_552 = arith.constant 48 : index
        %get3A_553 = tpu.vector_load %arg9[%get3A_551, %get3A_552] {strides = array<i32>} : memref<1440x64xf32, #tpu.memory_space<vmem>>, vector<1x16xf32>,
        %get3A_554 = vector.shape_cast %get3A_553 : vector<1x16xf32> to vector<16xf32>
        %slice3A_555 = vector.extract_strided_slice %get3A_135 {offsets = [11], sizes = [1], strides = [1]} : vector<16xi32> to vector<1xi32>
        %squeeze3A_556 = vector.extract %slice3A_555[0] : i32 from vector<1xi32>
        %get3A_557 = arith.index_cast %squeeze3A_556 : i32 to index
        %get3A_558 = arith.constant 0 : index
        %get3A_559 = tpu.vector_load %arg9[%get3A_557, %get3A_558] {strides = array<i32>} : memref<1440x64xf32, #tpu.memory_space<vmem>>, vector<1x16xf32>,
        %get3A_560 = vector.shape_cast %get3A_559 : vector<1x16xf32> to vector<16xf32>
        %get3A_561 = arith.index_cast %squeeze3A_556 : i32 to index
        %get3A_562 = arith.constant 16 : index
        %get3A_563 = tpu.vector_load %arg9[%get3A_561, %get3A_562] {strides = array<i32>} : memref<1440x64xf32, #tpu.memory_space<vmem>>, vector<1x16xf32>,
        %get3A_564 = vector.shape_cast %get3A_563 : vector<1x16xf32> to vector<16xf32>
        %get3A_565 = arith.index_cast %squeeze3A_556 : i32 to index
        %get3A_566 = arith.constant 32 : index
        %get3A_567 = tpu.vector_load %arg9[%get3A_565, %get3A_566] {strides = array<i32>} : memref<1440x64xf32, #tpu.memory_space<vmem>>, vector<1x16xf32>,
        %get3A_568 = vector.shape_cast %get3A_567 : vector<1x16xf32> to vector<16xf32>
        %get3A_569 = arith.index_cast %squeeze3A_556 : i32 to index
        %get3A_570 = arith.constant 48 : index
        %get3A_571 = tpu.vector_load %arg9[%get3A_569, %get3A_570] {strides = array<i32>} : memref<1440x64xf32, #tpu.memory_space<vmem>>, vector<1x16xf32>,
        %get3A_572 = vector.shape_cast %get3A_571 : vector<1x16xf32> to vector<16xf32>
        %mul3A_573 = arith.constant 16 : i32
        %mul3A_574 = arith.muli %scan3A_129, %mul3A_573 : i32
        %add3A_575 = arith.constant 64 : i32
        %add3A_576 = arith.addi %add3A_575, %mul3A_574 : i32
        %add3A_577 = arith.constant 8 : i32
        %add3A_578 = arith.addi %add3A_576, %add3A_577 : i32
        %add3A_579 = arith.constant 0 : i32
        %add3A_580 = arith.addi %add3A_578, %add3A_579 : i32
        %swap3A_581 = arith.index_cast %add3A_580 : i32 to index
        %swap3A_582 = arith.constant 0 : index
        %swap3A_583 = tpu.vector_load %arg7[%swap3A_581, %swap3A_582] {strides = array<i32>} : memref<160x64xf32, #tpu.memory_space<vmem>>, vector<1x16xf32>,
        %swap3A_584 = vector.shape_cast %swap3A_583 : vector<1x16xf32> to vector<16xf32>
        %swap3A_585 = vector.shape_cast %get3A_506 : vector<16xf32> to vector<1x16xf32>
        tpu.vector_store %arg7[%swap3A_581, %swap3A_582], %swap3A_585 {strides = array<i32>} : memref<160x64xf32, #tpu.memory_space<vmem>>, vector<1x16xf32>,
        %swap3A_586 = arith.index_cast %add3A_580 : i32 to index
        %swap3A_587 = arith.constant 16 : index
        %swap3A_588 = tpu.vector_load %arg7[%swap3A_586, %swap3A_587] {strides = array<i32>} : memref<160x64xf32, #tpu.memory_space<vmem>>, vector<1x16xf32>,
        %swap3A_589 = vector.shape_cast %swap3A_588 : vector<1x16xf32> to vector<16xf32>
        %swap3A_590 = vector.shape_cast %get3A_510 : vector<16xf32> to vector<1x16xf32>
        tpu.vector_store %arg7[%swap3A_586, %swap3A_587], %swap3A_590 {strides = array<i32>} : memref<160x64xf32, #tpu.memory_space<vmem>>, vector<1x16xf32>,
        %swap3A_591 = arith.index_cast %add3A_580 : i32 to index
        %swap3A_592 = arith.constant 32 : index
        %swap3A_593 = tpu.vector_load %arg7[%swap3A_591, %swap3A_592] {strides = array<i32>} : memref<160x64xf32, #tpu.memory_space<vmem>>, vector<1x16xf32>,
        %swap3A_594 = vector.shape_cast %swap3A_593 : vector<1x16xf32> to vector<16xf32>
        %swap3A_595 = vector.shape_cast %get3A_514 : vector<16xf32> to vector<1x16xf32>
        tpu.vector_store %arg7[%swap3A_591, %swap3A_592], %swap3A_595 {strides = array<i32>} : memref<160x64xf32, #tpu.memory_space<vmem>>, vector<1x16xf32>,
        %swap3A_596 = arith.index_cast %add3A_580 : i32 to index
        %swap3A_597 = arith.constant 48 : index
        %swap3A_598 = tpu.vector_load %arg7[%swap3A_596, %swap3A_597] {strides = array<i32>} : memref<160x64xf32, #tpu.memory_space<vmem>>, vector<1x16xf32>,
        %swap3A_599 = vector.shape_cast %swap3A_598 : vector<1x16xf32> to vector<16xf32>
        %swap3A_600 = vector.shape_cast %get3A_518 : vector<16xf32> to vector<1x16xf32>
        tpu.vector_store %arg7[%swap3A_596, %swap3A_597], %swap3A_600 {strides = array<i32>} : memref<160x64xf32, #tpu.memory_space<vmem>>, vector<1x16xf32>,
        %mul3A_601 = arith.constant 16 : i32
        %mul3A_602 = arith.muli %scan3A_129, %mul3A_601 : i32
        %add3A_603 = arith.constant 64 : i32
        %add3A_604 = arith.addi %add3A_603, %mul3A_602 : i32
        %add3A_605 = arith.constant 8 : i32
        %add3A_606 = arith.addi %add3A_604, %add3A_605 : i32
        %add3A_607 = arith.constant 1 : i32
        %add3A_608 = arith.addi %add3A_606, %add3A_607 : i32
        %swap3A_609 = arith.index_cast %add3A_608 : i32 to index
        %swap3A_610 = arith.constant 0 : index
        %swap3A_611 = tpu.vector_load %arg7[%swap3A_609, %swap3A_610] {strides = array<i32>} : memref<160x64xf32, #tpu.memory_space<vmem>>, vector<1x16xf32>,
        %swap3A_612 = vector.shape_cast %swap3A_611 : vector<1x16xf32> to vector<16xf32>
        %swap3A_613 = vector.shape_cast %get3A_524 : vector<16xf32> to vector<1x16xf32>
        tpu.vector_store %arg7[%swap3A_609, %swap3A_610], %swap3A_613 {strides = array<i32>} : memref<160x64xf32, #tpu.memory_space<vmem>>, vector<1x16xf32>,
        %swap3A_614 = arith.index_cast %add3A_608 : i32 to index
        %swap3A_615 = arith.constant 16 : index
        %swap3A_616 = tpu.vector_load %arg7[%swap3A_614, %swap3A_615] {strides = array<i32>} : memref<160x64xf32, #tpu.memory_space<vmem>>, vector<1x16xf32>,
        %swap3A_617 = vector.shape_cast %swap3A_616 : vector<1x16xf32> to vector<16xf32>
        %swap3A_618 = vector.shape_cast %get3A_528 : vector<16xf32> to vector<1x16xf32>
        tpu.vector_store %arg7[%swap3A_614, %swap3A_615], %swap3A_618 {strides = array<i32>} : memref<160x64xf32, #tpu.memory_space<vmem>>, vector<1x16xf32>,
        %swap3A_619 = arith.index_cast %add3A_608 : i32 to index
        %swap3A_620 = arith.constant 32 : index
        %swap3A_621 = tpu.vector_load %arg7[%swap3A_619, %swap3A_620] {strides = array<i32>} : memref<160x64xf32, #tpu.memory_space<vmem>>, vector<1x16xf32>,
        %swap3A_622 = vector.shape_cast %swap3A_621 : vector<1x16xf32> to vector<16xf32>
        %swap3A_623 = vector.shape_cast %get3A_532 : vector<16xf32> to vector<1x16xf32>
        tpu.vector_store %arg7[%swap3A_619, %swap3A_620], %swap3A_623 {strides = array<i32>} : memref<160x64xf32, #tpu.memory_space<vmem>>, vector<1x16xf32>,
        %swap3A_624 = arith.index_cast %add3A_608 : i32 to index
        %swap3A_625 = arith.constant 48 : index
        %swap3A_626 = tpu.vector_load %arg7[%swap3A_624, %swap3A_625] {strides = array<i32>} : memref<160x64xf32, #tpu.memory_space<vmem>>, vector<1x16xf32>,
        %swap3A_627 = vector.shape_cast %swap3A_626 : vector<1x16xf32> to vector<16xf32>
        %swap3A_628 = vector.shape_cast %get3A_536 : vector<16xf32> to vector<1x16xf32>
        tpu.vector_store %arg7[%swap3A_624, %swap3A_625], %swap3A_628 {strides = array<i32>} : memref<160x64xf32, #tpu.memory_space<vmem>>, vector<1x16xf32>,
        %mul3A_629 = arith.constant 16 : i32
        %mul3A_630 = arith.muli %scan3A_129, %mul3A_629 : i32
        %add3A_631 = arith.constant 64 : i32
        %add3A_632 = arith.addi %add3A_631, %mul3A_630 : i32
        %add3A_633 = arith.constant 8 : i32
        %add3A_634 = arith.addi %add3A_632, %add3A_633 : i32
        %add3A_635 = arith.constant 2 : i32
        %add3A_636 = arith.addi %add3A_634, %add3A_635 : i32
        %swap3A_637 = arith.index_cast %add3A_636 : i32 to index
        %swap3A_638 = arith.constant 0 : index
        %swap3A_639 = tpu.vector_load %arg7[%swap3A_637, %swap3A_638] {strides = array<i32>} : memref<160x64xf32, #tpu.memory_space<vmem>>, vector<1x16xf32>,
        %swap3A_640 = vector.shape_cast %swap3A_639 : vector<1x16xf32> to vector<16xf32>
        %swap3A_641 = vector.shape_cast %get3A_542 : vector<16xf32> to vector<1x16xf32>
        tpu.vector_store %arg7[%swap3A_637, %swap3A_638], %swap3A_641 {strides = array<i32>} : memref<160x64xf32, #tpu.memory_space<vmem>>, vector<1x16xf32>,
        %swap3A_642 = arith.index_cast %add3A_636 : i32 to index
        %swap3A_643 = arith.constant 16 : index
        %swap3A_644 = tpu.vector_load %arg7[%swap3A_642, %swap3A_643] {strides = array<i32>} : memref<160x64xf32, #tpu.memory_space<vmem>>, vector<1x16xf32>,
        %swap3A_645 = vector.shape_cast %swap3A_644 : vector<1x16xf32> to vector<16xf32>
        %swap3A_646 = vector.shape_cast %get3A_546 : vector<16xf32> to vector<1x16xf32>
        tpu.vector_store %arg7[%swap3A_642, %swap3A_643], %swap3A_646 {strides = array<i32>} : memref<160x64xf32, #tpu.memory_space<vmem>>, vector<1x16xf32>,
        %swap3A_647 = arith.index_cast %add3A_636 : i32 to index
        %swap3A_648 = arith.constant 32 : index
        %swap3A_649 = tpu.vector_load %arg7[%swap3A_647, %swap3A_648] {strides = array<i32>} : memref<160x64xf32, #tpu.memory_space<vmem>>, vector<1x16xf32>,
        %swap3A_650 = vector.shape_cast %swap3A_649 : vector<1x16xf32> to vector<16xf32>
        %swap3A_651 = vector.shape_cast %get3A_550 : vector<16xf32> to vector<1x16xf32>
        tpu.vector_store %arg7[%swap3A_647, %swap3A_648], %swap3A_651 {strides = array<i32>} : memref<160x64xf32, #tpu.memory_space<vmem>>, vector<1x16xf32>,
        %swap3A_652 = arith.index_cast %add3A_636 : i32 to index
        %swap3A_653 = arith.constant 48 : index
        %swap3A_654 = tpu.vector_load %arg7[%swap3A_652, %swap3A_653] {strides = array<i32>} : memref<160x64xf32, #tpu.memory_space<vmem>>, vector<1x16xf32>,
        %swap3A_655 = vector.shape_cast %swap3A_654 : vector<1x16xf32> to vector<16xf32>
        %swap3A_656 = vector.shape_cast %get3A_554 : vector<16xf32> to vector<1x16xf32>
        tpu.vector_store %arg7[%swap3A_652, %swap3A_653], %swap3A_656 {strides = array<i32>} : memref<160x64xf32, #tpu.memory_space<vmem>>, vector<1x16xf32>,
        %mul3A_657 = arith.constant 16 : i32
        %mul3A_658 = arith.muli %scan3A_129, %mul3A_657 : i32
        %add3A_659 = arith.constant 64 : i32
        %add3A_660 = arith.addi %add3A_659, %mul3A_658 : i32
        %add3A_661 = arith.constant 8 : i32
        %add3A_662 = arith.addi %add3A_660, %add3A_661 : i32
        %add3A_663 = arith.constant 3 : i32
        %add3A_664 = arith.addi %add3A_662, %add3A_663 : i32
        %swap3A_665 = arith.index_cast %add3A_664 : i32 to index
        %swap3A_666 = arith.constant 0 : index
        %swap3A_667 = tpu.vector_load %arg7[%swap3A_665, %swap3A_666] {strides = array<i32>} : memref<160x64xf32, #tpu.memory_space<vmem>>, vector<1x16xf32>,
        %swap3A_668 = vector.shape_cast %swap3A_667 : vector<1x16xf32> to vector<16xf32>
        %swap3A_669 = vector.shape_cast %get3A_560 : vector<16xf32> to vector<1x16xf32>
        tpu.vector_store %arg7[%swap3A_665, %swap3A_666], %swap3A_669 {strides = array<i32>} : memref<160x64xf32, #tpu.memory_space<vmem>>, vector<1x16xf32>,
        %swap3A_670 = arith.index_cast %add3A_664 : i32 to index
        %swap3A_671 = arith.constant 16 : index
        %swap3A_672 = tpu.vector_load %arg7[%swap3A_670, %swap3A_671] {strides = array<i32>} : memref<160x64xf32, #tpu.memory_space<vmem>>, vector<1x16xf32>,
        %swap3A_673 = vector.shape_cast %swap3A_672 : vector<1x16xf32> to vector<16xf32>
        %swap3A_674 = vector.shape_cast %get3A_564 : vector<16xf32> to vector<1x16xf32>
        tpu.vector_store %arg7[%swap3A_670, %swap3A_671], %swap3A_674 {strides = array<i32>} : memref<160x64xf32, #tpu.memory_space<vmem>>, vector<1x16xf32>,
        %swap3A_675 = arith.index_cast %add3A_664 : i32 to index
        %swap3A_676 = arith.constant 32 : index
        %swap3A_677 = tpu.vector_load %arg7[%swap3A_675, %swap3A_676] {strides = array<i32>} : memref<160x64xf32, #tpu.memory_space<vmem>>, vector<1x16xf32>,
        %swap3A_678 = vector.shape_cast %swap3A_677 : vector<1x16xf32> to vector<16xf32>
        %swap3A_679 = vector.shape_cast %get3A_568 : vector<16xf32> to vector<1x16xf32>
        tpu.vector_store %arg7[%swap3A_675, %swap3A_676], %swap3A_679 {strides = array<i32>} : memref<160x64xf32, #tpu.memory_space<vmem>>, vector<1x16xf32>,
        %swap3A_680 = arith.index_cast %add3A_664 : i32 to index
        %swap3A_681 = arith.constant 48 : index
        %swap3A_682 = tpu.vector_load %arg7[%swap3A_680, %swap3A_681] {strides = array<i32>} : memref<160x64xf32, #tpu.memory_space<vmem>>, vector<1x16xf32>,
        %swap3A_683 = vector.shape_cast %swap3A_682 : vector<1x16xf32> to vector<16xf32>
        %swap3A_684 = vector.shape_cast %get3A_572 : vector<16xf32> to vector<1x16xf32>
        tpu.vector_store %arg7[%swap3A_680, %swap3A_681], %swap3A_684 {strides = array<i32>} : memref<160x64xf32, #tpu.memory_space<vmem>>, vector<1x16xf32>,
        %slice3A_685 = vector.extract_strided_slice %get3A_135 {offsets = [12], sizes = [1], strides = [1]} : vector<16xi32> to vector<1xi32>
        %squeeze3A_686 = vector.extract %slice3A_685[0] : i32 from vector<1xi32>
        %get3A_687 = arith.index_cast %squeeze3A_686 : i32 to index
        %get3A_688 = arith.constant 0 : index
        %get3A_689 = tpu.vector_load %arg9[%get3A_687, %get3A_688] {strides = array<i32>} : memref<1440x64xf32, #tpu.memory_space<vmem>>, vector<1x16xf32>,
        %get3A_690 = vector.shape_cast %get3A_689 : vector<1x16xf32> to vector<16xf32>
        %get3A_691 = arith.index_cast %squeeze3A_686 : i32 to index
        %get3A_692 = arith.constant 16 : index
        %get3A_693 = tpu.vector_load %arg9[%get3A_691, %get3A_692] {strides = array<i32>} : memref<1440x64xf32, #tpu.memory_space<vmem>>, vector<1x16xf32>,
        %get3A_694 = vector.shape_cast %get3A_693 : vector<1x16xf32> to vector<16xf32>
        %get3A_695 = arith.index_cast %squeeze3A_686 : i32 to index
        %get3A_696 = arith.constant 32 : index
        %get3A_697 = tpu.vector_load %arg9[%get3A_695, %get3A_696] {strides = array<i32>} : memref<1440x64xf32, #tpu.memory_space<vmem>>, vector<1x16xf32>,
        %get3A_698 = vector.shape_cast %get3A_697 : vector<1x16xf32> to vector<16xf32>
        %get3A_699 = arith.index_cast %squeeze3A_686 : i32 to index
        %get3A_700 = arith.constant 48 : index
        %get3A_701 = tpu.vector_load %arg9[%get3A_699, %get3A_700] {strides = array<i32>} : memref<1440x64xf32, #tpu.memory_space<vmem>>, vector<1x16xf32>,
        %get3A_702 = vector.shape_cast %get3A_701 : vector<1x16xf32> to vector<16xf32>
        %slice3A_703 = vector.extract_strided_slice %get3A_135 {offsets = [13], sizes = [1], strides = [1]} : vector<16xi32> to vector<1xi32>
        %squeeze3A_704 = vector.extract %slice3A_703[0] : i32 from vector<1xi32>
        %get3A_705 = arith.index_cast %squeeze3A_704 : i32 to index
        %get3A_706 = arith.constant 0 : index
        %get3A_707 = tpu.vector_load %arg9[%get3A_705, %get3A_706] {strides = array<i32>} : memref<1440x64xf32, #tpu.memory_space<vmem>>, vector<1x16xf32>,
        %get3A_708 = vector.shape_cast %get3A_707 : vector<1x16xf32> to vector<16xf32>
        %get3A_709 = arith.index_cast %squeeze3A_704 : i32 to index
        %get3A_710 = arith.constant 16 : index
        %get3A_711 = tpu.vector_load %arg9[%get3A_709, %get3A_710] {strides = array<i32>} : memref<1440x64xf32, #tpu.memory_space<vmem>>, vector<1x16xf32>,
        %get3A_712 = vector.shape_cast %get3A_711 : vector<1x16xf32> to vector<16xf32>
        %get3A_713 = arith.index_cast %squeeze3A_704 : i32 to index
        %get3A_714 = arith.constant 32 : index
        %get3A_715 = tpu.vector_load %arg9[%get3A_713, %get3A_714] {strides = array<i32>} : memref<1440x64xf32, #tpu.memory_space<vmem>>, vector<1x16xf32>,
        %get3A_716 = vector.shape_cast %get3A_715 : vector<1x16xf32> to vector<16xf32>
        %get3A_717 = arith.index_cast %squeeze3A_704 : i32 to index
        %get3A_718 = arith.constant 48 : index
        %get3A_719 = tpu.vector_load %arg9[%get3A_717, %get3A_718] {strides = array<i32>} : memref<1440x64xf32, #tpu.memory_space<vmem>>, vector<1x16xf32>,
        %get3A_720 = vector.shape_cast %get3A_719 : vector<1x16xf32> to vector<16xf32>
        %slice3A_721 = vector.extract_strided_slice %get3A_135 {offsets = [14], sizes = [1], strides = [1]} : vector<16xi32> to vector<1xi32>
        %squeeze3A_722 = vector.extract %slice3A_721[0] : i32 from vector<1xi32>
        %get3A_723 = arith.index_cast %squeeze3A_722 : i32 to index
        %get3A_724 = arith.constant 0 : index
        %get3A_725 = tpu.vector_load %arg9[%get3A_723, %get3A_724] {strides = array<i32>} : memref<1440x64xf32, #tpu.memory_space<vmem>>, vector<1x16xf32>,
        %get3A_726 = vector.shape_cast %get3A_725 : vector<1x16xf32> to vector<16xf32>
        %get3A_727 = arith.index_cast %squeeze3A_722 : i32 to index
        %get3A_728 = arith.constant 16 : index
        %get3A_729 = tpu.vector_load %arg9[%get3A_727, %get3A_728] {strides = array<i32>} : memref<1440x64xf32, #tpu.memory_space<vmem>>, vector<1x16xf32>,
        %get3A_730 = vector.shape_cast %get3A_729 : vector<1x16xf32> to vector<16xf32>
        %get3A_731 = arith.index_cast %squeeze3A_722 : i32 to index
        %get3A_732 = arith.constant 32 : index
        %get3A_733 = tpu.vector_load %arg9[%get3A_731, %get3A_732] {strides = array<i32>} : memref<1440x64xf32, #tpu.memory_space<vmem>>, vector<1x16xf32>,
        %get3A_734 = vector.shape_cast %get3A_733 : vector<1x16xf32> to vector<16xf32>
        %get3A_735 = arith.index_cast %squeeze3A_722 : i32 to index
        %get3A_736 = arith.constant 48 : index
        %get3A_737 = tpu.vector_load %arg9[%get3A_735, %get3A_736] {strides = array<i32>} : memref<1440x64xf32, #tpu.memory_space<vmem>>, vector<1x16xf32>,
        %get3A_738 = vector.shape_cast %get3A_737 : vector<1x16xf32> to vector<16xf32>
        %slice3A_739 = vector.extract_strided_slice %get3A_135 {offsets = [15], sizes = [1], strides = [1]} : vector<16xi32> to vector<1xi32>
        %squeeze3A_740 = vector.extract %slice3A_739[0] : i32 from vector<1xi32>
        %get3A_741 = arith.index_cast %squeeze3A_740 : i32 to index
        %get3A_742 = arith.constant 0 : index
        %get3A_743 = tpu.vector_load %arg9[%get3A_741, %get3A_742] {strides = array<i32>} : memref<1440x64xf32, #tpu.memory_space<vmem>>, vector<1x16xf32>,
        %get3A_744 = vector.shape_cast %get3A_743 : vector<1x16xf32> to vector<16xf32>
        %get3A_745 = arith.index_cast %squeeze3A_740 : i32 to index
        %get3A_746 = arith.constant 16 : index
        %get3A_747 = tpu.vector_load %arg9[%get3A_745, %get3A_746] {strides = array<i32>} : memref<1440x64xf32, #tpu.memory_space<vmem>>, vector<1x16xf32>,
        %get3A_748 = vector.shape_cast %get3A_747 : vector<1x16xf32> to vector<16xf32>
        %get3A_749 = arith.index_cast %squeeze3A_740 : i32 to index
        %get3A_750 = arith.constant 32 : index
        %get3A_751 = tpu.vector_load %arg9[%get3A_749, %get3A_750] {strides = array<i32>} : memref<1440x64xf32, #tpu.memory_space<vmem>>, vector<1x16xf32>,
        %get3A_752 = vector.shape_cast %get3A_751 : vector<1x16xf32> to vector<16xf32>
        %get3A_753 = arith.index_cast %squeeze3A_740 : i32 to index
        %get3A_754 = arith.constant 48 : index
        %get3A_755 = tpu.vector_load %arg9[%get3A_753, %get3A_754] {strides = array<i32>} : memref<1440x64xf32, #tpu.memory_space<vmem>>, vector<1x16xf32>,
        %get3A_756 = vector.shape_cast %get3A_755 : vector<1x16xf32> to vector<16xf32>
        %mul3A_757 = arith.constant 16 : i32
        %mul3A_758 = arith.muli %scan3A_129, %mul3A_757 : i32
        %add3A_759 = arith.constant 64 : i32
        %add3A_760 = arith.addi %add3A_759, %mul3A_758 : i32
        %add3A_761 = arith.constant 12 : i32
        %add3A_762 = arith.addi %add3A_760, %add3A_761 : i32
        %add3A_763 = arith.constant 0 : i32
        %add3A_764 = arith.addi %add3A_762, %add3A_763 : i32
        %swap3A_765 = arith.index_cast %add3A_764 : i32 to index
        %swap3A_766 = arith.constant 0 : index
        %swap3A_767 = tpu.vector_load %arg7[%swap3A_765, %swap3A_766] {strides = array<i32>} : memref<160x64xf32, #tpu.memory_space<vmem>>, vector<1x16xf32>,
        %swap3A_768 = vector.shape_cast %swap3A_767 : vector<1x16xf32> to vector<16xf32>
        %swap3A_769 = vector.shape_cast %get3A_690 : vector<16xf32> to vector<1x16xf32>
        tpu.vector_store %arg7[%swap3A_765, %swap3A_766], %swap3A_769 {strides = array<i32>} : memref<160x64xf32, #tpu.memory_space<vmem>>, vector<1x16xf32>,
        %swap3A_770 = arith.index_cast %add3A_764 : i32 to index
        %swap3A_771 = arith.constant 16 : index
        %swap3A_772 = tpu.vector_load %arg7[%swap3A_770, %swap3A_771] {strides = array<i32>} : memref<160x64xf32, #tpu.memory_space<vmem>>, vector<1x16xf32>,
        %swap3A_773 = vector.shape_cast %swap3A_772 : vector<1x16xf32> to vector<16xf32>
        %swap3A_774 = vector.shape_cast %get3A_694 : vector<16xf32> to vector<1x16xf32>
        tpu.vector_store %arg7[%swap3A_770, %swap3A_771], %swap3A_774 {strides = array<i32>} : memref<160x64xf32, #tpu.memory_space<vmem>>, vector<1x16xf32>,
        %swap3A_775 = arith.index_cast %add3A_764 : i32 to index
        %swap3A_776 = arith.constant 32 : index
        %swap3A_777 = tpu.vector_load %arg7[%swap3A_775, %swap3A_776] {strides = array<i32>} : memref<160x64xf32, #tpu.memory_space<vmem>>, vector<1x16xf32>,
        %swap3A_778 = vector.shape_cast %swap3A_777 : vector<1x16xf32> to vector<16xf32>
        %swap3A_779 = vector.shape_cast %get3A_698 : vector<16xf32> to vector<1x16xf32>
        tpu.vector_store %arg7[%swap3A_775, %swap3A_776], %swap3A_779 {strides = array<i32>} : memref<160x64xf32, #tpu.memory_space<vmem>>, vector<1x16xf32>,
        %swap3A_780 = arith.index_cast %add3A_764 : i32 to index
        %swap3A_781 = arith.constant 48 : index
        %swap3A_782 = tpu.vector_load %arg7[%swap3A_780, %swap3A_781] {strides = array<i32>} : memref<160x64xf32, #tpu.memory_space<vmem>>, vector<1x16xf32>,
        %swap3A_783 = vector.shape_cast %swap3A_782 : vector<1x16xf32> to vector<16xf32>
        %swap3A_784 = vector.shape_cast %get3A_702 : vector<16xf32> to vector<1x16xf32>
        tpu.vector_store %arg7[%swap3A_780, %swap3A_781], %swap3A_784 {strides = array<i32>} : memref<160x64xf32, #tpu.memory_space<vmem>>, vector<1x16xf32>,
        %mul3A_785 = arith.constant 16 : i32
        %mul3A_786 = arith.muli %scan3A_129, %mul3A_785 : i32
        %add3A_787 = arith.constant 64 : i32
        %add3A_788 = arith.addi %add3A_787, %mul3A_786 : i32
        %add3A_789 = arith.constant 12 : i32
        %add3A_790 = arith.addi %add3A_788, %add3A_789 : i32
        %add3A_791 = arith.constant 1 : i32
        %add3A_792 = arith.addi %add3A_790, %add3A_791 : i32
        %swap3A_793 = arith.index_cast %add3A_792 : i32 to index
        %swap3A_794 = arith.constant 0 : index
        %swap3A_795 = tpu.vector_load %arg7[%swap3A_793, %swap3A_794] {strides = array<i32>} : memref<160x64xf32, #tpu.memory_space<vmem>>, vector<1x16xf32>,
        %swap3A_796 = vector.shape_cast %swap3A_795 : vector<1x16xf32> to vector<16xf32>
        %swap3A_797 = vector.shape_cast %get3A_708 : vector<16xf32> to vector<1x16xf32>
        tpu.vector_store %arg7[%swap3A_793, %swap3A_794], %swap3A_797 {strides = array<i32>} : memref<160x64xf32, #tpu.memory_space<vmem>>, vector<1x16xf32>,
        %swap3A_798 = arith.index_cast %add3A_792 : i32 to index
        %swap3A_799 = arith.constant 16 : index
        %swap3A_800 = tpu.vector_load %arg7[%swap3A_798, %swap3A_799] {strides = array<i32>} : memref<160x64xf32, #tpu.memory_space<vmem>>, vector<1x16xf32>,
        %swap3A_801 = vector.shape_cast %swap3A_800 : vector<1x16xf32> to vector<16xf32>
        %swap3A_802 = vector.shape_cast %get3A_712 : vector<16xf32> to vector<1x16xf32>
        tpu.vector_store %arg7[%swap3A_798, %swap3A_799], %swap3A_802 {strides = array<i32>} : memref<160x64xf32, #tpu.memory_space<vmem>>, vector<1x16xf32>,
        %swap3A_803 = arith.index_cast %add3A_792 : i32 to index
        %swap3A_804 = arith.constant 32 : index
        %swap3A_805 = tpu.vector_load %arg7[%swap3A_803, %swap3A_804] {strides = array<i32>} : memref<160x64xf32, #tpu.memory_space<vmem>>, vector<1x16xf32>,
        %swap3A_806 = vector.shape_cast %swap3A_805 : vector<1x16xf32> to vector<16xf32>
        %swap3A_807 = vector.shape_cast %get3A_716 : vector<16xf32> to vector<1x16xf32>
        tpu.vector_store %arg7[%swap3A_803, %swap3A_804], %swap3A_807 {strides = array<i32>} : memref<160x64xf32, #tpu.memory_space<vmem>>, vector<1x16xf32>,
        %swap3A_808 = arith.index_cast %add3A_792 : i32 to index
        %swap3A_809 = arith.constant 48 : index
        %swap3A_810 = tpu.vector_load %arg7[%swap3A_808, %swap3A_809] {strides = array<i32>} : memref<160x64xf32, #tpu.memory_space<vmem>>, vector<1x16xf32>,
        %swap3A_811 = vector.shape_cast %swap3A_810 : vector<1x16xf32> to vector<16xf32>
        %swap3A_812 = vector.shape_cast %get3A_720 : vector<16xf32> to vector<1x16xf32>
        tpu.vector_store %arg7[%swap3A_808, %swap3A_809], %swap3A_812 {strides = array<i32>} : memref<160x64xf32, #tpu.memory_space<vmem>>, vector<1x16xf32>,
        %mul3A_813 = arith.constant 16 : i32
        %mul3A_814 = arith.muli %scan3A_129, %mul3A_813 : i32
        %add3A_815 = arith.constant 64 : i32
        %add3A_816 = arith.addi %add3A_815, %mul3A_814 : i32
        %add3A_817 = arith.constant 12 : i32
        %add3A_818 = arith.addi %add3A_816, %add3A_817 : i32
        %add3A_819 = arith.constant 2 : i32
        %add3A_820 = arith.addi %add3A_818, %add3A_819 : i32
        %swap3A_821 = arith.index_cast %add3A_820 : i32 to index
        %swap3A_822 = arith.constant 0 : index
        %swap3A_823 = tpu.vector_load %arg7[%swap3A_821, %swap3A_822] {strides = array<i32>} : memref<160x64xf32, #tpu.memory_space<vmem>>, vector<1x16xf32>,
        %swap3A_824 = vector.shape_cast %swap3A_823 : vector<1x16xf32> to vector<16xf32>
        %swap3A_825 = vector.shape_cast %get3A_726 : vector<16xf32> to vector<1x16xf32>
        tpu.vector_store %arg7[%swap3A_821, %swap3A_822], %swap3A_825 {strides = array<i32>} : memref<160x64xf32, #tpu.memory_space<vmem>>, vector<1x16xf32>,
        %swap3A_826 = arith.index_cast %add3A_820 : i32 to index
        %swap3A_827 = arith.constant 16 : index
        %swap3A_828 = tpu.vector_load %arg7[%swap3A_826, %swap3A_827] {strides = array<i32>} : memref<160x64xf32, #tpu.memory_space<vmem>>, vector<1x16xf32>,
        %swap3A_829 = vector.shape_cast %swap3A_828 : vector<1x16xf32> to vector<16xf32>
        %swap3A_830 = vector.shape_cast %get3A_730 : vector<16xf32> to vector<1x16xf32>
        tpu.vector_store %arg7[%swap3A_826, %swap3A_827], %swap3A_830 {strides = array<i32>} : memref<160x64xf32, #tpu.memory_space<vmem>>, vector<1x16xf32>,
        %swap3A_831 = arith.index_cast %add3A_820 : i32 to index
        %swap3A_832 = arith.constant 32 : index
        %swap3A_833 = tpu.vector_load %arg7[%swap3A_831, %swap3A_832] {strides = array<i32>} : memref<160x64xf32, #tpu.memory_space<vmem>>, vector<1x16xf32>,
        %swap3A_834 = vector.shape_cast %swap3A_833 : vector<1x16xf32> to vector<16xf32>
        %swap3A_835 = vector.shape_cast %get3A_734 : vector<16xf32> to vector<1x16xf32>
        tpu.vector_store %arg7[%swap3A_831, %swap3A_832], %swap3A_835 {strides = array<i32>} : memref<160x64xf32, #tpu.memory_space<vmem>>, vector<1x16xf32>,
        %swap3A_836 = arith.index_cast %add3A_820 : i32 to index
        %swap3A_837 = arith.constant 48 : index
        %swap3A_838 = tpu.vector_load %arg7[%swap3A_836, %swap3A_837] {strides = array<i32>} : memref<160x64xf32, #tpu.memory_space<vmem>>, vector<1x16xf32>,
        %swap3A_839 = vector.shape_cast %swap3A_838 : vector<1x16xf32> to vector<16xf32>
        %swap3A_840 = vector.shape_cast %get3A_738 : vector<16xf32> to vector<1x16xf32>
        tpu.vector_store %arg7[%swap3A_836, %swap3A_837], %swap3A_840 {strides = array<i32>} : memref<160x64xf32, #tpu.memory_space<vmem>>, vector<1x16xf32>,
        %mul3A_841 = arith.constant 16 : i32
        %mul3A_842 = arith.muli %scan3A_129, %mul3A_841 : i32
        %add3A_843 = arith.constant 64 : i32
        %add3A_844 = arith.addi %add3A_843, %mul3A_842 : i32
        %add3A_845 = arith.constant 12 : i32
        %add3A_846 = arith.addi %add3A_844, %add3A_845 : i32
        %add3A_847 = arith.constant 3 : i32
        %add3A_848 = arith.addi %add3A_846, %add3A_847 : i32
        %swap3A_849 = arith.index_cast %add3A_848 : i32 to index
        %swap3A_850 = arith.constant 0 : index
        %swap3A_851 = tpu.vector_load %arg7[%swap3A_849, %swap3A_850] {strides = array<i32>} : memref<160x64xf32, #tpu.memory_space<vmem>>, vector<1x16xf32>,
        %swap3A_852 = vector.shape_cast %swap3A_851 : vector<1x16xf32> to vector<16xf32>
        %swap3A_853 = vector.shape_cast %get3A_744 : vector<16xf32> to vector<1x16xf32>
        tpu.vector_store %arg7[%swap3A_849, %swap3A_850], %swap3A_853 {strides = array<i32>} : memref<160x64xf32, #tpu.memory_space<vmem>>, vector<1x16xf32>,
        %swap3A_854 = arith.index_cast %add3A_848 : i32 to index
        %swap3A_855 = arith.constant 16 : index
        %swap3A_856 = tpu.vector_load %arg7[%swap3A_854, %swap3A_855] {strides = array<i32>} : memref<160x64xf32, #tpu.memory_space<vmem>>, vector<1x16xf32>,
        %swap3A_857 = vector.shape_cast %swap3A_856 : vector<1x16xf32> to vector<16xf32>
        %swap3A_858 = vector.shape_cast %get3A_748 : vector<16xf32> to vector<1x16xf32>
        tpu.vector_store %arg7[%swap3A_854, %swap3A_855], %swap3A_858 {strides = array<i32>} : memref<160x64xf32, #tpu.memory_space<vmem>>, vector<1x16xf32>,
        %swap3A_859 = arith.index_cast %add3A_848 : i32 to index
        %swap3A_860 = arith.constant 32 : index
        %swap3A_861 = tpu.vector_load %arg7[%swap3A_859, %swap3A_860] {strides = array<i32>} : memref<160x64xf32, #tpu.memory_space<vmem>>, vector<1x16xf32>,
        %swap3A_862 = vector.shape_cast %swap3A_861 : vector<1x16xf32> to vector<16xf32>
        %swap3A_863 = vector.shape_cast %get3A_752 : vector<16xf32> to vector<1x16xf32>
        tpu.vector_store %arg7[%swap3A_859, %swap3A_860], %swap3A_863 {strides = array<i32>} : memref<160x64xf32, #tpu.memory_space<vmem>>, vector<1x16xf32>,
        %swap3A_864 = arith.index_cast %add3A_848 : i32 to index
        %swap3A_865 = arith.constant 48 : index
        %swap3A_866 = tpu.vector_load %arg7[%swap3A_864, %swap3A_865] {strides = array<i32>} : memref<160x64xf32, #tpu.memory_space<vmem>>, vector<1x16xf32>,
        %swap3A_867 = vector.shape_cast %swap3A_866 : vector<1x16xf32> to vector<16xf32>
        %swap3A_868 = vector.shape_cast %get3A_756 : vector<16xf32> to vector<1x16xf32>
        tpu.vector_store %arg7[%swap3A_864, %swap3A_865], %swap3A_868 {strides = array<i32>} : memref<160x64xf32, #tpu.memory_space<vmem>>, vector<1x16xf32>,
      }
      %scan3A_56 = arith.constant 6 : i32
      %dma_wait3A_57 = arith.constant 0 : i32
      %dma_wait3A_58 = arith.constant 0 : i32
      %dma_wait3A_59 = tpu.memref_slice %arg7[%dma_wait3A_57, %dma_wait3A_58] : memref<160x64xf32, #tpu.memory_space<vmem>> -> memref<64x64xf32, #tpu.memory_space<vmem>>
      %dma_wait3A_60 = arith.constant 0 : i32
      %dma_wait3A_61 = tpu.memref_slice %arg5[%dma_wait3A_60] : memref<160xi32, #tpu.memory_space<vmem>> -> memref<64xi32, #tpu.memory_space<vmem>>
      %dma_wait3A_62 = arith.constant 0 : i32
      %dma_wait3A_63 = arith.constant 0 : i32
      %dma_wait3A_64 = tpu.memref_slice %arg10[%dma_wait3A_62, %dma_wait3A_63] : memref<1440x64xf32, #tpu.memory_space<vmem_shared>> -> memref<1440x64xf32, #tpu.memory_space<vmem_shared>>
      tpu.wait_indirect_dma semaphore(%arg13 : memref<!tpu.dma_semaphore, #tpu.memory_space<semaphore_mem>>) src(%dma_wait3A_64 : memref<1440x64xf32, #tpu.memory_space<vmem_shared>>) dst(%dma_wait3A_59 : memref<64x64xf32, #tpu.memory_space<vmem>>)
      %add3A_65 = arith.constant 2 : i32
      %add3A_66 = arith.addi %mul3A_32, %add3A_65 : i32
      %lt3A = arith.constant 160 : i32
      %lt3A_67 = arith.cmpi slt, %add3A_66, %lt3A : i32
      %convert_element_type3A_68 = arith.extui %lt3A_67 : i1 to i32
      %cond3A_69 = arith.constant 0 : i32
      %cond3A_70 = arith.cmpi ne, %convert_element_type3A_68, %cond3A_69 : i32
      scf.if %cond3A_70 {
        %add3A_129 = arith.constant 2 : i32
        %add3A_130 = arith.addi %mul3A_32, %add3A_129 : i32
        %mul3A_131 = arith.constant 160 : i32
        %mul3A_132 = arith.muli %add3A_130, %mul3A_131 : i32
        %add3A_133 = arith.addi %multiple_of3A, %mul3A_132 : i32
        %multiple_of3A_134 = tpu.assume_multiple %add3A_133, 8 : i32
        %dma_start3A_135 = tpu.memref_slice %arg2[%multiple_of3A_134] : memref<819200xi32, #tpu.memory_space<hbm>> -> memref<160xi32, #tpu.memory_space<hbm>>
        %dma_start3A_136 = tpu.memref_slice %arg2[%multiple_of3A_134] : memref<819200xi32, #tpu.memory_space<hbm>> -> memref<160xi32, #tpu.memory_space<hbm>>
        tpu.enqueue_dma source(%dma_start3A_136 : memref<160xi32, #tpu.memory_space<hbm>>) target(%arg5 : memref<160xi32, #tpu.memory_space<vmem>>) target_semaphore(%arg11 : memref<!tpu.dma_semaphore, #tpu.memory_space<semaphore_mem>>)
      } else {
      }
      %mul3A_71 = arith.constant 160 : i32
      %mul3A_72 = arith.muli %mul3A_32, %mul3A_71 : i32
      %add3A_73 = arith.addi %multiple_of3A, %mul3A_72 : i32
      %dma_start3A_74 = arith.constant 0 : i32
      %dma_start3A_75 = tpu.memref_slice %arg4[%add3A_73, %dma_start3A_74] : memref<819200x64xf32, #tpu.memory_space<hbm>> -> memref<160x64xf32, #tpu.memory_space<hbm>>
      %dma_start3A_76 = arith.constant 0 : i32
      %dma_start3A_77 = tpu.memref_slice %arg4[%add3A_73, %dma_start3A_76] : memref<819200x64xf32, #tpu.memory_space<hbm>> -> memref<160x64xf32, #tpu.memory_space<hbm>>
      tpu.enqueue_dma source(%arg7 : memref<160x64xf32, #tpu.memory_space<vmem>>) target(%dma_start3A_77 : memref<160x64xf32, #tpu.memory_space<hbm>>) target_semaphore(%arg15 : memref<!tpu.dma_semaphore, #tpu.memory_space<semaphore_mem>>)
      %mul3A_78 = arith.constant 2 : i32
      %mul3A_79 = arith.muli %mul3A_78, %scan3A_30 : i32
      %add3A_80 = arith.constant 1 : i32
      %add3A_81 = arith.addi %mul3A_79, %add3A_80 : i32
      %ge3A_82 = arith.constant 1 : i32
      %ge3A_83 = arith.cmpi sge, %scan3A_30, %ge3A_82 : i32
      %convert_element_type3A_84 = arith.extui %ge3A_83 : i1 to i32
      %cond3A_85 = arith.constant 0 : i32
      %cond3A_86 = arith.cmpi ne, %convert_element_type3A_84, %cond3A_85 : i32
      scf.if %cond3A_86 {
        %sub3A = arith.constant 2 : i32
        %sub3A_129 = arith.subi %add3A_81, %sub3A : i32
        %mul3A_130 = arith.constant 160 : i32
        %mul3A_131 = arith.muli %sub3A_129, %mul3A_130 : i32
        %add3A_132 = arith.addi %multiple_of3A, %mul3A_131 : i32
        %dma_wait3A_133 = arith.constant 0 : i32
        %dma_wait3A_134 = tpu.memref_slice %arg4[%add3A_132, %dma_wait3A_133] : memref<819200x64xf32, #tpu.memory_space<hbm>> -> memref<160x64xf32, #tpu.memory_space<hbm>>
        %dma_wait3A_135 = arith.constant 0 : i32
        %dma_wait3A_136 = tpu.memref_slice %arg4[%add3A_132, %dma_wait3A_135] : memref<819200x64xf32, #tpu.memory_space<hbm>> -> memref<160x64xf32, #tpu.memory_space<hbm>>
        tpu.wait_dma2 semaphore(%arg16 : memref<!tpu.dma_semaphore, #tpu.memory_space<semaphore_mem>>) src(%arg8 : memref<160x64xf32, #tpu.memory_space<vmem>>) dst(%dma_wait3A_136 : memref<160x64xf32, #tpu.memory_space<hbm>>)
      } else {
      }
      %mul3A_87 = arith.constant 160 : i32
      %mul3A_88 = arith.muli %add3A_81, %mul3A_87 : i32
      %add3A_89 = arith.addi %multiple_of3A, %mul3A_88 : i32
      %multiple_of3A_90 = tpu.assume_multiple %add3A_89, 8 : i32
      %dma_wait3A_91 = tpu.memref_slice %arg2[%multiple_of3A_90] : memref<819200xi32, #tpu.memory_space<hbm>> -> memref<160xi32, #tpu.memory_space<hbm>>
      %dma_wait3A_92 = tpu.memref_slice %arg2[%multiple_of3A_90] : memref<819200xi32, #tpu.memory_space<hbm>> -> memref<160xi32, #tpu.memory_space<hbm>>
      tpu.wait_dma2 semaphore(%arg12 : memref<!tpu.dma_semaphore, #tpu.memory_space<semaphore_mem>>) src(%dma_wait3A_92 : memref<160xi32, #tpu.memory_space<hbm>>) dst(%arg6 : memref<160xi32, #tpu.memory_space<vmem>>)
      %dma_start3A_93 = arith.constant 0 : i32
      %dma_start3A_94 = arith.constant 0 : i32
      %dma_start3A_95 = tpu.memref_slice %arg8[%dma_start3A_93, %dma_start3A_94] : memref<160x64xf32, #tpu.memory_space<vmem>> -> memref<64x64xf32, #tpu.memory_space<vmem>>
      %dma_start3A_96 = arith.constant 0 : i32
      %dma_start3A_97 = tpu.memref_slice %arg6[%dma_start3A_96] : memref<160xi32, #tpu.memory_space<vmem>> -> memref<64xi32, #tpu.memory_space<vmem>>
      %dma_start3A_98 = arith.constant 0 : i32
      %dma_start3A_99 = arith.constant 0 : i32
      %dma_start3A_100 = tpu.memref_slice %arg10[%dma_start3A_98, %dma_start3A_99] : memref<1440x64xf32, #tpu.memory_space<vmem_shared>> -> memref<1440x64xf32, #tpu.memory_space<vmem_shared>>
      tpu.enqueue_indirect_dma source(%dma_start3A_100 : memref<1440x64xf32, #tpu.memory_space<vmem_shared>>) target(%dma_start3A_95 : memref<64x64xf32, #tpu.memory_space<vmem>>) offsets(%dma_start3A_97 : memref<64xi32, #tpu.memory_space<vmem>>) semaphore(%arg14 : memref<!tpu.dma_semaphore, #tpu.memory_space<semaphore_mem>>)
      %scan3A_101 = arith.constant 0 : i32
      %scan3A_102 = arith.constant 0 : i32
      %scan3A_103 = arith.constant 6 : i32
      %scan3A_104 = arith.addi %scan3A_102, %scan3A_103 : i32
      %scan3A_105 = arith.constant 1 : i32
      scf.for %scan3A_129 = %scan3A_102 to %scan3A_104 step %scan3A_105  : i32 {
        %mul3A_130 = arith.constant 16 : i32
        %mul3A_131 = arith.muli %scan3A_129, %mul3A_130 : i32
        %add3A_132 = arith.constant 64 : i32
        %add3A_133 = arith.addi %add3A_132, %mul3A_131 : i32
        %get3A = arith.index_cast %add3A_133 : i32 to index
        %get3A_134 = tpu.vector_load %arg6[%get3A] {strides = array<i32>} : memref<160xi32, #tpu.memory_space<vmem>>, vector<16xi32>,
        %get3A_135 = vector.shape_cast %get3A_134 : vector<16xi32> to vector<16xi32>
        %slice3A = vector.extract_strided_slice %get3A_135 {offsets = [0], sizes = [1], strides = [1]} : vector<16xi32> to vector<1xi32>
        %squeeze3A = vector.extract %slice3A[0] : i32 from vector<1xi32>
        %get3A_136 = arith.index_cast %squeeze3A : i32 to index
        %get3A_137 = arith.constant 0 : index
        %get3A_138 = tpu.vector_load %arg9[%get3A_136, %get3A_137] {strides = array<i32>} : memref<1440x64xf32, #tpu.memory_space<vmem>>, vector<1x16xf32>,
        %get3A_139 = vector.shape_cast %get3A_138 : vector<1x16xf32> to vector<16xf32>
        %get3A_140 = arith.index_cast %squeeze3A : i32 to index
        %get3A_141 = arith.constant 16 : index
        %get3A_142 = tpu.vector_load %arg9[%get3A_140, %get3A_141] {strides = array<i32>} : memref<1440x64xf32, #tpu.memory_space<vmem>>, vector<1x16xf32>,
        %get3A_143 = vector.shape_cast %get3A_142 : vector<1x16xf32> to vector<16xf32>
        %get3A_144 = arith.index_cast %squeeze3A : i32 to index
        %get3A_145 = arith.constant 32 : index
        %get3A_146 = tpu.vector_load %arg9[%get3A_144, %get3A_145] {strides = array<i32>} : memref<1440x64xf32, #tpu.memory_space<vmem>>, vector<1x16xf32>,
        %get3A_147 = vector.shape_cast %get3A_146 : vector<1x16xf32> to vector<16xf32>
        %get3A_148 = arith.index_cast %squeeze3A : i32 to index
        %get3A_149 = arith.constant 48 : index
        %get3A_150 = tpu.vector_load %arg9[%get3A_148, %get3A_149] {strides = array<i32>} : memref<1440x64xf32, #tpu.memory_space<vmem>>, vector<1x16xf32>,
        %get3A_151 = vector.shape_cast %get3A_150 : vector<1x16xf32> to vector<16xf32>
        %slice3A_152 = vector.extract_strided_slice %get3A_135 {offsets = [1], sizes = [1], strides = [1]} : vector<16xi32> to vector<1xi32>
        %squeeze3A_153 = vector.extract %slice3A_152[0] : i32 from vector<1xi32>
        %get3A_154 = arith.index_cast %squeeze3A_153 : i32 to index
        %get3A_155 = arith.constant 0 : index
        %get3A_156 = tpu.vector_load %arg9[%get3A_154, %get3A_155] {strides = array<i32>} : memref<1440x64xf32, #tpu.memory_space<vmem>>, vector<1x16xf32>,
        %get3A_157 = vector.shape_cast %get3A_156 : vector<1x16xf32> to vector<16xf32>
        %get3A_158 = arith.index_cast %squeeze3A_153 : i32 to index
        %get3A_159 = arith.constant 16 : index
        %get3A_160 = tpu.vector_load %arg9[%get3A_158, %get3A_159] {strides = array<i32>} : memref<1440x64xf32, #tpu.memory_space<vmem>>, vector<1x16xf32>,
        %get3A_161 = vector.shape_cast %get3A_160 : vector<1x16xf32> to vector<16xf32>
        %get3A_162 = arith.index_cast %squeeze3A_153 : i32 to index
        %get3A_163 = arith.constant 32 : index
        %get3A_164 = tpu.vector_load %arg9[%get3A_162, %get3A_163] {strides = array<i32>} : memref<1440x64xf32, #tpu.memory_space<vmem>>, vector<1x16xf32>,
        %get3A_165 = vector.shape_cast %get3A_164 : vector<1x16xf32> to vector<16xf32>
        %get3A_166 = arith.index_cast %squeeze3A_153 : i32 to index
        %get3A_167 = arith.constant 48 : index
        %get3A_168 = tpu.vector_load %arg9[%get3A_166, %get3A_167] {strides = array<i32>} : memref<1440x64xf32, #tpu.memory_space<vmem>>, vector<1x16xf32>,
        %get3A_169 = vector.shape_cast %get3A_168 : vector<1x16xf32> to vector<16xf32>
        %slice3A_170 = vector.extract_strided_slice %get3A_135 {offsets = [2], sizes = [1], strides = [1]} : vector<16xi32> to vector<1xi32>
        %squeeze3A_171 = vector.extract %slice3A_170[0] : i32 from vector<1xi32>
        %get3A_172 = arith.index_cast %squeeze3A_171 : i32 to index
        %get3A_173 = arith.constant 0 : index
        %get3A_174 = tpu.vector_load %arg9[%get3A_172, %get3A_173] {strides = array<i32>} : memref<1440x64xf32, #tpu.memory_space<vmem>>, vector<1x16xf32>,
        %get3A_175 = vector.shape_cast %get3A_174 : vector<1x16xf32> to vector<16xf32>
        %get3A_176 = arith.index_cast %squeeze3A_171 : i32 to index
        %get3A_177 = arith.constant 16 : index
        %get3A_178 = tpu.vector_load %arg9[%get3A_176, %get3A_177] {strides = array<i32>} : memref<1440x64xf32, #tpu.memory_space<vmem>>, vector<1x16xf32>,
        %get3A_179 = vector.shape_cast %get3A_178 : vector<1x16xf32> to vector<16xf32>
        %get3A_180 = arith.index_cast %squeeze3A_171 : i32 to index
        %get3A_181 = arith.constant 32 : index
        %get3A_182 = tpu.vector_load %arg9[%get3A_180, %get3A_181] {strides = array<i32>} : memref<1440x64xf32, #tpu.memory_space<vmem>>, vector<1x16xf32>,
        %get3A_183 = vector.shape_cast %get3A_182 : vector<1x16xf32> to vector<16xf32>
        %get3A_184 = arith.index_cast %squeeze3A_171 : i32 to index
        %get3A_185 = arith.constant 48 : index
        %get3A_186 = tpu.vector_load %arg9[%get3A_184, %get3A_185] {strides = array<i32>} : memref<1440x64xf32, #tpu.memory_space<vmem>>, vector<1x16xf32>,
        %get3A_187 = vector.shape_cast %get3A_186 : vector<1x16xf32> to vector<16xf32>
        %slice3A_188 = vector.extract_strided_slice %get3A_135 {offsets = [3], sizes = [1], strides = [1]} : vector<16xi32> to vector<1xi32>
        %squeeze3A_189 = vector.extract %slice3A_188[0] : i32 from vector<1xi32>
        %get3A_190 = arith.index_cast %squeeze3A_189 : i32 to index
        %get3A_191 = arith.constant 0 : index
        %get3A_192 = tpu.vector_load %arg9[%get3A_190, %get3A_191] {strides = array<i32>} : memref<1440x64xf32, #tpu.memory_space<vmem>>, vector<1x16xf32>,
        %get3A_193 = vector.shape_cast %get3A_192 : vector<1x16xf32> to vector<16xf32>
        %get3A_194 = arith.index_cast %squeeze3A_189 : i32 to index
        %get3A_195 = arith.constant 16 : index
        %get3A_196 = tpu.vector_load %arg9[%get3A_194, %get3A_195] {strides = array<i32>} : memref<1440x64xf32, #tpu.memory_space<vmem>>, vector<1x16xf32>,
        %get3A_197 = vector.shape_cast %get3A_196 : vector<1x16xf32> to vector<16xf32>
        %get3A_198 = arith.index_cast %squeeze3A_189 : i32 to index
        %get3A_199 = arith.constant 32 : index
        %get3A_200 = tpu.vector_load %arg9[%get3A_198, %get3A_199] {strides = array<i32>} : memref<1440x64xf32, #tpu.memory_space<vmem>>, vector<1x16xf32>,
        %get3A_201 = vector.shape_cast %get3A_200 : vector<1x16xf32> to vector<16xf32>
        %get3A_202 = arith.index_cast %squeeze3A_189 : i32 to index
        %get3A_203 = arith.constant 48 : index
        %get3A_204 = tpu.vector_load %arg9[%get3A_202, %get3A_203] {strides = array<i32>} : memref<1440x64xf32, #tpu.memory_space<vmem>>, vector<1x16xf32>,
        %get3A_205 = vector.shape_cast %get3A_204 : vector<1x16xf32> to vector<16xf32>
        %mul3A_206 = arith.constant 16 : i32
        %mul3A_207 = arith.muli %scan3A_129, %mul3A_206 : i32
        %add3A_208 = arith.constant 64 : i32
        %add3A_209 = arith.addi %add3A_208, %mul3A_207 : i32
        %add3A_210 = arith.constant 0 : i32
        %add3A_211 = arith.addi %add3A_209, %add3A_210 : i32
        %add3A_212 = arith.constant 0 : i32
        %add3A_213 = arith.addi %add3A_211, %add3A_212 : i32
        %swap3A = arith.index_cast %add3A_213 : i32 to index
        %swap3A_214 = arith.constant 0 : index
        %swap3A_215 = tpu.vector_load %arg8[%swap3A, %swap3A_214] {strides = array<i32>} : memref<160x64xf32, #tpu.memory_space<vmem>>, vector<1x16xf32>,
        %swap3A_216 = vector.shape_cast %swap3A_215 : vector<1x16xf32> to vector<16xf32>
        %swap3A_217 = vector.shape_cast %get3A_139 : vector<16xf32> to vector<1x16xf32>
        tpu.vector_store %arg8[%swap3A, %swap3A_214], %swap3A_217 {strides = array<i32>} : memref<160x64xf32, #tpu.memory_space<vmem>>, vector<1x16xf32>,
        %swap3A_218 = arith.index_cast %add3A_213 : i32 to index
        %swap3A_219 = arith.constant 16 : index
        %swap3A_220 = tpu.vector_load %arg8[%swap3A_218, %swap3A_219] {strides = array<i32>} : memref<160x64xf32, #tpu.memory_space<vmem>>, vector<1x16xf32>,
        %swap3A_221 = vector.shape_cast %swap3A_220 : vector<1x16xf32> to vector<16xf32>
        %swap3A_222 = vector.shape_cast %get3A_143 : vector<16xf32> to vector<1x16xf32>
        tpu.vector_store %arg8[%swap3A_218, %swap3A_219], %swap3A_222 {strides = array<i32>} : memref<160x64xf32, #tpu.memory_space<vmem>>, vector<1x16xf32>,
        %swap3A_223 = arith.index_cast %add3A_213 : i32 to index
        %swap3A_224 = arith.constant 32 : index
        %swap3A_225 = tpu.vector_load %arg8[%swap3A_223, %swap3A_224] {strides = array<i32>} : memref<160x64xf32, #tpu.memory_space<vmem>>, vector<1x16xf32>,
        %swap3A_226 = vector.shape_cast %swap3A_225 : vector<1x16xf32> to vector<16xf32>
        %swap3A_227 = vector.shape_cast %get3A_147 : vector<16xf32> to vector<1x16xf32>
        tpu.vector_store %arg8[%swap3A_223, %swap3A_224], %swap3A_227 {strides = array<i32>} : memref<160x64xf32, #tpu.memory_space<vmem>>, vector<1x16xf32>,
        %swap3A_228 = arith.index_cast %add3A_213 : i32 to index
        %swap3A_229 = arith.constant 48 : index
        %swap3A_230 = tpu.vector_load %arg8[%swap3A_228, %swap3A_229] {strides = array<i32>} : memref<160x64xf32, #tpu.memory_space<vmem>>, vector<1x16xf32>,
        %swap3A_231 = vector.shape_cast %swap3A_230 : vector<1x16xf32> to vector<16xf32>
        %swap3A_232 = vector.shape_cast %get3A_151 : vector<16xf32> to vector<1x16xf32>
        tpu.vector_store %arg8[%swap3A_228, %swap3A_229], %swap3A_232 {strides = array<i32>} : memref<160x64xf32, #tpu.memory_space<vmem>>, vector<1x16xf32>,
        %mul3A_233 = arith.constant 16 : i32
        %mul3A_234 = arith.muli %scan3A_129, %mul3A_233 : i32
        %add3A_235 = arith.constant 64 : i32
        %add3A_236 = arith.addi %add3A_235, %mul3A_234 : i32
        %add3A_237 = arith.constant 0 : i32
        %add3A_238 = arith.addi %add3A_236, %add3A_237 : i32
        %add3A_239 = arith.constant 1 : i32
        %add3A_240 = arith.addi %add3A_238, %add3A_239 : i32
        %swap3A_241 = arith.index_cast %add3A_240 : i32 to index
        %swap3A_242 = arith.constant 0 : index
        %swap3A_243 = tpu.vector_load %arg8[%swap3A_241, %swap3A_242] {strides = array<i32>} : memref<160x64xf32, #tpu.memory_space<vmem>>, vector<1x16xf32>,
        %swap3A_244 = vector.shape_cast %swap3A_243 : vector<1x16xf32> to vector<16xf32>
        %swap3A_245 = vector.shape_cast %get3A_157 : vector<16xf32> to vector<1x16xf32>
        tpu.vector_store %arg8[%swap3A_241, %swap3A_242], %swap3A_245 {strides = array<i32>} : memref<160x64xf32, #tpu.memory_space<vmem>>, vector<1x16xf32>,
        %swap3A_246 = arith.index_cast %add3A_240 : i32 to index
        %swap3A_247 = arith.constant 16 : index
        %swap3A_248 = tpu.vector_load %arg8[%swap3A_246, %swap3A_247] {strides = array<i32>} : memref<160x64xf32, #tpu.memory_space<vmem>>, vector<1x16xf32>,
        %swap3A_249 = vector.shape_cast %swap3A_248 : vector<1x16xf32> to vector<16xf32>
        %swap3A_250 = vector.shape_cast %get3A_161 : vector<16xf32> to vector<1x16xf32>
        tpu.vector_store %arg8[%swap3A_246, %swap3A_247], %swap3A_250 {strides = array<i32>} : memref<160x64xf32, #tpu.memory_space<vmem>>, vector<1x16xf32>,
        %swap3A_251 = arith.index_cast %add3A_240 : i32 to index
        %swap3A_252 = arith.constant 32 : index
        %swap3A_253 = tpu.vector_load %arg8[%swap3A_251, %swap3A_252] {strides = array<i32>} : memref<160x64xf32, #tpu.memory_space<vmem>>, vector<1x16xf32>,
        %swap3A_254 = vector.shape_cast %swap3A_253 : vector<1x16xf32> to vector<16xf32>
        %swap3A_255 = vector.shape_cast %get3A_165 : vector<16xf32> to vector<1x16xf32>
        tpu.vector_store %arg8[%swap3A_251, %swap3A_252], %swap3A_255 {strides = array<i32>} : memref<160x64xf32, #tpu.memory_space<vmem>>, vector<1x16xf32>,
        %swap3A_256 = arith.index_cast %add3A_240 : i32 to index
        %swap3A_257 = arith.constant 48 : index
        %swap3A_258 = tpu.vector_load %arg8[%swap3A_256, %swap3A_257] {strides = array<i32>} : memref<160x64xf32, #tpu.memory_space<vmem>>, vector<1x16xf32>,
        %swap3A_259 = vector.shape_cast %swap3A_258 : vector<1x16xf32> to vector<16xf32>
        %swap3A_260 = vector.shape_cast %get3A_169 : vector<16xf32> to vector<1x16xf32>
        tpu.vector_store %arg8[%swap3A_256, %swap3A_257], %swap3A_260 {strides = array<i32>} : memref<160x64xf32, #tpu.memory_space<vmem>>, vector<1x16xf32>,
        %mul3A_261 = arith.constant 16 : i32
        %mul3A_262 = arith.muli %scan3A_129, %mul3A_261 : i32
        %add3A_263 = arith.constant 64 : i32
        %add3A_264 = arith.addi %add3A_263, %mul3A_262 : i32
        %add3A_265 = arith.constant 0 : i32
        %add3A_266 = arith.addi %add3A_264, %add3A_265 : i32
        %add3A_267 = arith.constant 2 : i32
        %add3A_268 = arith.addi %add3A_266, %add3A_267 : i32
        %swap3A_269 = arith.index_cast %add3A_268 : i32 to index
        %swap3A_270 = arith.constant 0 : index
        %swap3A_271 = tpu.vector_load %arg8[%swap3A_269, %swap3A_270] {strides = array<i32>} : memref<160x64xf32, #tpu.memory_space<vmem>>, vector<1x16xf32>,
        %swap3A_272 = vector.shape_cast %swap3A_271 : vector<1x16xf32> to vector<16xf32>
        %swap3A_273 = vector.shape_cast %get3A_175 : vector<16xf32> to vector<1x16xf32>
        tpu.vector_store %arg8[%swap3A_269, %swap3A_270], %swap3A_273 {strides = array<i32>} : memref<160x64xf32, #tpu.memory_space<vmem>>, vector<1x16xf32>,
        %swap3A_274 = arith.index_cast %add3A_268 : i32 to index
        %swap3A_275 = arith.constant 16 : index
        %swap3A_276 = tpu.vector_load %arg8[%swap3A_274, %swap3A_275] {strides = array<i32>} : memref<160x64xf32, #tpu.memory_space<vmem>>, vector<1x16xf32>,
        %swap3A_277 = vector.shape_cast %swap3A_276 : vector<1x16xf32> to vector<16xf32>
        %swap3A_278 = vector.shape_cast %get3A_179 : vector<16xf32> to vector<1x16xf32>
        tpu.vector_store %arg8[%swap3A_274, %swap3A_275], %swap3A_278 {strides = array<i32>} : memref<160x64xf32, #tpu.memory_space<vmem>>, vector<1x16xf32>,
        %swap3A_279 = arith.index_cast %add3A_268 : i32 to index
        %swap3A_280 = arith.constant 32 : index
        %swap3A_281 = tpu.vector_load %arg8[%swap3A_279, %swap3A_280] {strides = array<i32>} : memref<160x64xf32, #tpu.memory_space<vmem>>, vector<1x16xf32>,
        %swap3A_282 = vector.shape_cast %swap3A_281 : vector<1x16xf32> to vector<16xf32>
        %swap3A_283 = vector.shape_cast %get3A_183 : vector<16xf32> to vector<1x16xf32>
        tpu.vector_store %arg8[%swap3A_279, %swap3A_280], %swap3A_283 {strides = array<i32>} : memref<160x64xf32, #tpu.memory_space<vmem>>, vector<1x16xf32>,
        %swap3A_284 = arith.index_cast %add3A_268 : i32 to index
        %swap3A_285 = arith.constant 48 : index
        %swap3A_286 = tpu.vector_load %arg8[%swap3A_284, %swap3A_285] {strides = array<i32>} : memref<160x64xf32, #tpu.memory_space<vmem>>, vector<1x16xf32>,
        %swap3A_287 = vector.shape_cast %swap3A_286 : vector<1x16xf32> to vector<16xf32>
        %swap3A_288 = vector.shape_cast %get3A_187 : vector<16xf32> to vector<1x16xf32>
        tpu.vector_store %arg8[%swap3A_284, %swap3A_285], %swap3A_288 {strides = array<i32>} : memref<160x64xf32, #tpu.memory_space<vmem>>, vector<1x16xf32>,
        %mul3A_289 = arith.constant 16 : i32
        %mul3A_290 = arith.muli %scan3A_129, %mul3A_289 : i32
        %add3A_291 = arith.constant 64 : i32
        %add3A_292 = arith.addi %add3A_291, %mul3A_290 : i32
        %add3A_293 = arith.constant 0 : i32
        %add3A_294 = arith.addi %add3A_292, %add3A_293 : i32
        %add3A_295 = arith.constant 3 : i32
        %add3A_296 = arith.addi %add3A_294, %add3A_295 : i32
        %swap3A_297 = arith.index_cast %add3A_296 : i32 to index
        %swap3A_298 = arith.constant 0 : index
        %swap3A_299 = tpu.vector_load %arg8[%swap3A_297, %swap3A_298] {strides = array<i32>} : memref<160x64xf32, #tpu.memory_space<vmem>>, vector<1x16xf32>,
        %swap3A_300 = vector.shape_cast %swap3A_299 : vector<1x16xf32> to vector<16xf32>
        %swap3A_301 = vector.shape_cast %get3A_193 : vector<16xf32> to vector<1x16xf32>
        tpu.vector_store %arg8[%swap3A_297, %swap3A_298], %swap3A_301 {strides = array<i32>} : memref<160x64xf32, #tpu.memory_space<vmem>>, vector<1x16xf32>,
        %swap3A_302 = arith.index_cast %add3A_296 : i32 to index
        %swap3A_303 = arith.constant 16 : index
        %swap3A_304 = tpu.vector_load %arg8[%swap3A_302, %swap3A_303] {strides = array<i32>} : memref<160x64xf32, #tpu.memory_space<vmem>>, vector<1x16xf32>,
        %swap3A_305 = vector.shape_cast %swap3A_304 : vector<1x16xf32> to vector<16xf32>
        %swap3A_306 = vector.shape_cast %get3A_197 : vector<16xf32> to vector<1x16xf32>
        tpu.vector_store %arg8[%swap3A_302, %swap3A_303], %swap3A_306 {strides = array<i32>} : memref<160x64xf32, #tpu.memory_space<vmem>>, vector<1x16xf32>,
        %swap3A_307 = arith.index_cast %add3A_296 : i32 to index
        %swap3A_308 = arith.constant 32 : index
        %swap3A_309 = tpu.vector_load %arg8[%swap3A_307, %swap3A_308] {strides = array<i32>} : memref<160x64xf32, #tpu.memory_space<vmem>>, vector<1x16xf32>,
        %swap3A_310 = vector.shape_cast %swap3A_309 : vector<1x16xf32> to vector<16xf32>
        %swap3A_311 = vector.shape_cast %get3A_201 : vector<16xf32> to vector<1x16xf32>
        tpu.vector_store %arg8[%swap3A_307, %swap3A_308], %swap3A_311 {strides = array<i32>} : memref<160x64xf32, #tpu.memory_space<vmem>>, vector<1x16xf32>,
        %swap3A_312 = arith.index_cast %add3A_296 : i32 to index
        %swap3A_313 = arith.constant 48 : index
        %swap3A_314 = tpu.vector_load %arg8[%swap3A_312, %swap3A_313] {strides = array<i32>} : memref<160x64xf32, #tpu.memory_space<vmem>>, vector<1x16xf32>,
        %swap3A_315 = vector.shape_cast %swap3A_314 : vector<1x16xf32> to vector<16xf32>
        %swap3A_316 = vector.shape_cast %get3A_205 : vector<16xf32> to vector<1x16xf32>
        tpu.vector_store %arg8[%swap3A_312, %swap3A_313], %swap3A_316 {strides = array<i32>} : memref<160x64xf32, #tpu.memory_space<vmem>>, vector<1x16xf32>,
        %slice3A_317 = vector.extract_strided_slice %get3A_135 {offsets = [4], sizes = [1], strides = [1]} : vector<16xi32> to vector<1xi32>
        %squeeze3A_318 = vector.extract %slice3A_317[0] : i32 from vector<1xi32>
        %get3A_319 = arith.index_cast %squeeze3A_318 : i32 to index
        %get3A_320 = arith.constant 0 : index
        %get3A_321 = tpu.vector_load %arg9[%get3A_319, %get3A_320] {strides = array<i32>} : memref<1440x64xf32, #tpu.memory_space<vmem>>, vector<1x16xf32>,
        %get3A_322 = vector.shape_cast %get3A_321 : vector<1x16xf32> to vector<16xf32>
        %get3A_323 = arith.index_cast %squeeze3A_318 : i32 to index
        %get3A_324 = arith.constant 16 : index
        %get3A_325 = tpu.vector_load %arg9[%get3A_323, %get3A_324] {strides = array<i32>} : memref<1440x64xf32, #tpu.memory_space<vmem>>, vector<1x16xf32>,
        %get3A_326 = vector.shape_cast %get3A_325 : vector<1x16xf32> to vector<16xf32>
        %get3A_327 = arith.index_cast %squeeze3A_318 : i32 to index
        %get3A_328 = arith.constant 32 : index
        %get3A_329 = tpu.vector_load %arg9[%get3A_327, %get3A_328] {strides = array<i32>} : memref<1440x64xf32, #tpu.memory_space<vmem>>, vector<1x16xf32>,
        %get3A_330 = vector.shape_cast %get3A_329 : vector<1x16xf32> to vector<16xf32>
        %get3A_331 = arith.index_cast %squeeze3A_318 : i32 to index
        %get3A_332 = arith.constant 48 : index
        %get3A_333 = tpu.vector_load %arg9[%get3A_331, %get3A_332] {strides = array<i32>} : memref<1440x64xf32, #tpu.memory_space<vmem>>, vector<1x16xf32>,
        %get3A_334 = vector.shape_cast %get3A_333 : vector<1x16xf32> to vector<16xf32>
        %slice3A_335 = vector.extract_strided_slice %get3A_135 {offsets = [5], sizes = [1], strides = [1]} : vector<16xi32> to vector<1xi32>
        %squeeze3A_336 = vector.extract %slice3A_335[0] : i32 from vector<1xi32>
        %get3A_337 = arith.index_cast %squeeze3A_336 : i32 to index
        %get3A_338 = arith.constant 0 : index
        %get3A_339 = tpu.vector_load %arg9[%get3A_337, %get3A_338] {strides = array<i32>} : memref<1440x64xf32, #tpu.memory_space<vmem>>, vector<1x16xf32>,
        %get3A_340 = vector.shape_cast %get3A_339 : vector<1x16xf32> to vector<16xf32>
        %get3A_341 = arith.index_cast %squeeze3A_336 : i32 to index
        %get3A_342 = arith.constant 16 : index
        %get3A_343 = tpu.vector_load %arg9[%get3A_341, %get3A_342] {strides = array<i32>} : memref<1440x64xf32, #tpu.memory_space<vmem>>, vector<1x16xf32>,
        %get3A_344 = vector.shape_cast %get3A_343 : vector<1x16xf32> to vector<16xf32>
        %get3A_345 = arith.index_cast %squeeze3A_336 : i32 to index
        %get3A_346 = arith.constant 32 : index
        %get3A_347 = tpu.vector_load %arg9[%get3A_345, %get3A_346] {strides = array<i32>} : memref<1440x64xf32, #tpu.memory_space<vmem>>, vector<1x16xf32>,
        %get3A_348 = vector.shape_cast %get3A_347 : vector<1x16xf32> to vector<16xf32>
        %get3A_349 = arith.index_cast %squeeze3A_336 : i32 to index
        %get3A_350 = arith.constant 48 : index
        %get3A_351 = tpu.vector_load %arg9[%get3A_349, %get3A_350] {strides = array<i32>} : memref<1440x64xf32, #tpu.memory_space<vmem>>, vector<1x16xf32>,
        %get3A_352 = vector.shape_cast %get3A_351 : vector<1x16xf32> to vector<16xf32>
        %slice3A_353 = vector.extract_strided_slice %get3A_135 {offsets = [6], sizes = [1], strides = [1]} : vector<16xi32> to vector<1xi32>
        %squeeze3A_354 = vector.extract %slice3A_353[0] : i32 from vector<1xi32>
        %get3A_355 = arith.index_cast %squeeze3A_354 : i32 to index
        %get3A_356 = arith.constant 0 : index
        %get3A_357 = tpu.vector_load %arg9[%get3A_355, %get3A_356] {strides = array<i32>} : memref<1440x64xf32, #tpu.memory_space<vmem>>, vector<1x16xf32>,
        %get3A_358 = vector.shape_cast %get3A_357 : vector<1x16xf32> to vector<16xf32>
        %get3A_359 = arith.index_cast %squeeze3A_354 : i32 to index
        %get3A_360 = arith.constant 16 : index
        %get3A_361 = tpu.vector_load %arg9[%get3A_359, %get3A_360] {strides = array<i32>} : memref<1440x64xf32, #tpu.memory_space<vmem>>, vector<1x16xf32>,
        %get3A_362 = vector.shape_cast %get3A_361 : vector<1x16xf32> to vector<16xf32>
        %get3A_363 = arith.index_cast %squeeze3A_354 : i32 to index
        %get3A_364 = arith.constant 32 : index
        %get3A_365 = tpu.vector_load %arg9[%get3A_363, %get3A_364] {strides = array<i32>} : memref<1440x64xf32, #tpu.memory_space<vmem>>, vector<1x16xf32>,
        %get3A_366 = vector.shape_cast %get3A_365 : vector<1x16xf32> to vector<16xf32>
        %get3A_367 = arith.index_cast %squeeze3A_354 : i32 to index
        %get3A_368 = arith.constant 48 : index
        %get3A_369 = tpu.vector_load %arg9[%get3A_367, %get3A_368] {strides = array<i32>} : memref<1440x64xf32, #tpu.memory_space<vmem>>, vector<1x16xf32>,
        %get3A_370 = vector.shape_cast %get3A_369 : vector<1x16xf32> to vector<16xf32>
        %slice3A_371 = vector.extract_strided_slice %get3A_135 {offsets = [7], sizes = [1], strides = [1]} : vector<16xi32> to vector<1xi32>
        %squeeze3A_372 = vector.extract %slice3A_371[0] : i32 from vector<1xi32>
        %get3A_373 = arith.index_cast %squeeze3A_372 : i32 to index
        %get3A_374 = arith.constant 0 : index
        %get3A_375 = tpu.vector_load %arg9[%get3A_373, %get3A_374] {strides = array<i32>} : memref<1440x64xf32, #tpu.memory_space<vmem>>, vector<1x16xf32>,
        %get3A_376 = vector.shape_cast %get3A_375 : vector<1x16xf32> to vector<16xf32>
        %get3A_377 = arith.index_cast %squeeze3A_372 : i32 to index
        %get3A_378 = arith.constant 16 : index
        %get3A_379 = tpu.vector_load %arg9[%get3A_377, %get3A_378] {strides = array<i32>} : memref<1440x64xf32, #tpu.memory_space<vmem>>, vector<1x16xf32>,
        %get3A_380 = vector.shape_cast %get3A_379 : vector<1x16xf32> to vector<16xf32>
        %get3A_381 = arith.index_cast %squeeze3A_372 : i32 to index
        %get3A_382 = arith.constant 32 : index
        %get3A_383 = tpu.vector_load %arg9[%get3A_381, %get3A_382] {strides = array<i32>} : memref<1440x64xf32, #tpu.memory_space<vmem>>, vector<1x16xf32>,
        %get3A_384 = vector.shape_cast %get3A_383 : vector<1x16xf32> to vector<16xf32>
        %get3A_385 = arith.index_cast %squeeze3A_372 : i32 to index
        %get3A_386 = arith.constant 48 : index
        %get3A_387 = tpu.vector_load %arg9[%get3A_385, %get3A_386] {strides = array<i32>} : memref<1440x64xf32, #tpu.memory_space<vmem>>, vector<1x16xf32>,
        %get3A_388 = vector.shape_cast %get3A_387 : vector<1x16xf32> to vector<16xf32>
        %mul3A_389 = arith.constant 16 : i32
        %mul3A_390 = arith.muli %scan3A_129, %mul3A_389 : i32
        %add3A_391 = arith.constant 64 : i32
        %add3A_392 = arith.addi %add3A_391, %mul3A_390 : i32
        %add3A_393 = arith.constant 4 : i32
        %add3A_394 = arith.addi %add3A_392, %add3A_393 : i32
        %add3A_395 = arith.constant 0 : i32
        %add3A_396 = arith.addi %add3A_394, %add3A_395 : i32
        %swap3A_397 = arith.index_cast %add3A_396 : i32 to index
        %swap3A_398 = arith.constant 0 : index
        %swap3A_399 = tpu.vector_load %arg8[%swap3A_397, %swap3A_398] {strides = array<i32>} : memref<160x64xf32, #tpu.memory_space<vmem>>, vector<1x16xf32>,
        %swap3A_400 = vector.shape_cast %swap3A_399 : vector<1x16xf32> to vector<16xf32>
        %swap3A_401 = vector.shape_cast %get3A_322 : vector<16xf32> to vector<1x16xf32>
        tpu.vector_store %arg8[%swap3A_397, %swap3A_398], %swap3A_401 {strides = array<i32>} : memref<160x64xf32, #tpu.memory_space<vmem>>, vector<1x16xf32>,
        %swap3A_402 = arith.index_cast %add3A_396 : i32 to index
        %swap3A_403 = arith.constant 16 : index
        %swap3A_404 = tpu.vector_load %arg8[%swap3A_402, %swap3A_403] {strides = array<i32>} : memref<160x64xf32, #tpu.memory_space<vmem>>, vector<1x16xf32>,
        %swap3A_405 = vector.shape_cast %swap3A_404 : vector<1x16xf32> to vector<16xf32>
        %swap3A_406 = vector.shape_cast %get3A_326 : vector<16xf32> to vector<1x16xf32>
        tpu.vector_store %arg8[%swap3A_402, %swap3A_403], %swap3A_406 {strides = array<i32>} : memref<160x64xf32, #tpu.memory_space<vmem>>, vector<1x16xf32>,
        %swap3A_407 = arith.index_cast %add3A_396 : i32 to index
        %swap3A_408 = arith.constant 32 : index
        %swap3A_409 = tpu.vector_load %arg8[%swap3A_407, %swap3A_408] {strides = array<i32>} : memref<160x64xf32, #tpu.memory_space<vmem>>, vector<1x16xf32>,
        %swap3A_410 = vector.shape_cast %swap3A_409 : vector<1x16xf32> to vector<16xf32>
        %swap3A_411 = vector.shape_cast %get3A_330 : vector<16xf32> to vector<1x16xf32>
        tpu.vector_store %arg8[%swap3A_407, %swap3A_408], %swap3A_411 {strides = array<i32>} : memref<160x64xf32, #tpu.memory_space<vmem>>, vector<1x16xf32>,
        %swap3A_412 = arith.index_cast %add3A_396 : i32 to index
        %swap3A_413 = arith.constant 48 : index
        %swap3A_414 = tpu.vector_load %arg8[%swap3A_412, %swap3A_413] {strides = array<i32>} : memref<160x64xf32, #tpu.memory_space<vmem>>, vector<1x16xf32>,
        %swap3A_415 = vector.shape_cast %swap3A_414 : vector<1x16xf32> to vector<16xf32>
        %swap3A_416 = vector.shape_cast %get3A_334 : vector<16xf32> to vector<1x16xf32>
        tpu.vector_store %arg8[%swap3A_412, %swap3A_413], %swap3A_416 {strides = array<i32>} : memref<160x64xf32, #tpu.memory_space<vmem>>, vector<1x16xf32>,
        %mul3A_417 = arith.constant 16 : i32
        %mul3A_418 = arith.muli %scan3A_129, %mul3A_417 : i32
        %add3A_419 = arith.constant 64 : i32
        %add3A_420 = arith.addi %add3A_419, %mul3A_418 : i32
        %add3A_421 = arith.constant 4 : i32
        %add3A_422 = arith.addi %add3A_420, %add3A_421 : i32
        %add3A_423 = arith.constant 1 : i32
        %add3A_424 = arith.addi %add3A_422, %add3A_423 : i32
        %swap3A_425 = arith.index_cast %add3A_424 : i32 to index
        %swap3A_426 = arith.constant 0 : index
        %swap3A_427 = tpu.vector_load %arg8[%swap3A_425, %swap3A_426] {strides = array<i32>} : memref<160x64xf32, #tpu.memory_space<vmem>>, vector<1x16xf32>,
        %swap3A_428 = vector.shape_cast %swap3A_427 : vector<1x16xf32> to vector<16xf32>
        %swap3A_429 = vector.shape_cast %get3A_340 : vector<16xf32> to vector<1x16xf32>
        tpu.vector_store %arg8[%swap3A_425, %swap3A_426], %swap3A_429 {strides = array<i32>} : memref<160x64xf32, #tpu.memory_space<vmem>>, vector<1x16xf32>,
        %swap3A_430 = arith.index_cast %add3A_424 : i32 to index
        %swap3A_431 = arith.constant 16 : index
        %swap3A_432 = tpu.vector_load %arg8[%swap3A_430, %swap3A_431] {strides = array<i32>} : memref<160x64xf32, #tpu.memory_space<vmem>>, vector<1x16xf32>,
        %swap3A_433 = vector.shape_cast %swap3A_432 : vector<1x16xf32> to vector<16xf32>
        %swap3A_434 = vector.shape_cast %get3A_344 : vector<16xf32> to vector<1x16xf32>
        tpu.vector_store %arg8[%swap3A_430, %swap3A_431], %swap3A_434 {strides = array<i32>} : memref<160x64xf32, #tpu.memory_space<vmem>>, vector<1x16xf32>,
        %swap3A_435 = arith.index_cast %add3A_424 : i32 to index
        %swap3A_436 = arith.constant 32 : index
        %swap3A_437 = tpu.vector_load %arg8[%swap3A_435, %swap3A_436] {strides = array<i32>} : memref<160x64xf32, #tpu.memory_space<vmem>>, vector<1x16xf32>,
        %swap3A_438 = vector.shape_cast %swap3A_437 : vector<1x16xf32> to vector<16xf32>
        %swap3A_439 = vector.shape_cast %get3A_348 : vector<16xf32> to vector<1x16xf32>
        tpu.vector_store %arg8[%swap3A_435, %swap3A_436], %swap3A_439 {strides = array<i32>} : memref<160x64xf32, #tpu.memory_space<vmem>>, vector<1x16xf32>,
        %swap3A_440 = arith.index_cast %add3A_424 : i32 to index
        %swap3A_441 = arith.constant 48 : index
        %swap3A_442 = tpu.vector_load %arg8[%swap3A_440, %swap3A_441] {strides = array<i32>} : memref<160x64xf32, #tpu.memory_space<vmem>>, vector<1x16xf32>,
        %swap3A_443 = vector.shape_cast %swap3A_442 : vector<1x16xf32> to vector<16xf32>
        %swap3A_444 = vector.shape_cast %get3A_352 : vector<16xf32> to vector<1x16xf32>
        tpu.vector_store %arg8[%swap3A_440, %swap3A_441], %swap3A_444 {strides = array<i32>} : memref<160x64xf32, #tpu.memory_space<vmem>>, vector<1x16xf32>,
        %mul3A_445 = arith.constant 16 : i32
        %mul3A_446 = arith.muli %scan3A_129, %mul3A_445 : i32
        %add3A_447 = arith.constant 64 : i32
        %add3A_448 = arith.addi %add3A_447, %mul3A_446 : i32
        %add3A_449 = arith.constant 4 : i32
        %add3A_450 = arith.addi %add3A_448, %add3A_449 : i32
        %add3A_451 = arith.constant 2 : i32
        %add3A_452 = arith.addi %add3A_450, %add3A_451 : i32
        %swap3A_453 = arith.index_cast %add3A_452 : i32 to index
        %swap3A_454 = arith.constant 0 : index
        %swap3A_455 = tpu.vector_load %arg8[%swap3A_453, %swap3A_454] {strides = array<i32>} : memref<160x64xf32, #tpu.memory_space<vmem>>, vector<1x16xf32>,
        %swap3A_456 = vector.shape_cast %swap3A_455 : vector<1x16xf32> to vector<16xf32>
        %swap3A_457 = vector.shape_cast %get3A_358 : vector<16xf32> to vector<1x16xf32>
        tpu.vector_store %arg8[%swap3A_453, %swap3A_454], %swap3A_457 {strides = array<i32>} : memref<160x64xf32, #tpu.memory_space<vmem>>, vector<1x16xf32>,
        %swap3A_458 = arith.index_cast %add3A_452 : i32 to index
        %swap3A_459 = arith.constant 16 : index
        %swap3A_460 = tpu.vector_load %arg8[%swap3A_458, %swap3A_459] {strides = array<i32>} : memref<160x64xf32, #tpu.memory_space<vmem>>, vector<1x16xf32>,
        %swap3A_461 = vector.shape_cast %swap3A_460 : vector<1x16xf32> to vector<16xf32>
        %swap3A_462 = vector.shape_cast %get3A_362 : vector<16xf32> to vector<1x16xf32>
        tpu.vector_store %arg8[%swap3A_458, %swap3A_459], %swap3A_462 {strides = array<i32>} : memref<160x64xf32, #tpu.memory_space<vmem>>, vector<1x16xf32>,
        %swap3A_463 = arith.index_cast %add3A_452 : i32 to index
        %swap3A_464 = arith.constant 32 : index
        %swap3A_465 = tpu.vector_load %arg8[%swap3A_463, %swap3A_464] {strides = array<i32>} : memref<160x64xf32, #tpu.memory_space<vmem>>, vector<1x16xf32>,
        %swap3A_466 = vector.shape_cast %swap3A_465 : vector<1x16xf32> to vector<16xf32>
        %swap3A_467 = vector.shape_cast %get3A_366 : vector<16xf32> to vector<1x16xf32>
        tpu.vector_store %arg8[%swap3A_463, %swap3A_464], %swap3A_467 {strides = array<i32>} : memref<160x64xf32, #tpu.memory_space<vmem>>, vector<1x16xf32>,
        %swap3A_468 = arith.index_cast %add3A_452 : i32 to index
        %swap3A_469 = arith.constant 48 : index
        %swap3A_470 = tpu.vector_load %arg8[%swap3A_468, %swap3A_469] {strides = array<i32>} : memref<160x64xf32, #tpu.memory_space<vmem>>, vector<1x16xf32>,
        %swap3A_471 = vector.shape_cast %swap3A_470 : vector<1x16xf32> to vector<16xf32>
        %swap3A_472 = vector.shape_cast %get3A_370 : vector<16xf32> to vector<1x16xf32>
        tpu.vector_store %arg8[%swap3A_468, %swap3A_469], %swap3A_472 {strides = array<i32>} : memref<160x64xf32, #tpu.memory_space<vmem>>, vector<1x16xf32>,
        %mul3A_473 = arith.constant 16 : i32
        %mul3A_474 = arith.muli %scan3A_129, %mul3A_473 : i32
        %add3A_475 = arith.constant 64 : i32
        %add3A_476 = arith.addi %add3A_475, %mul3A_474 : i32
        %add3A_477 = arith.constant 4 : i32
        %add3A_478 = arith.addi %add3A_476, %add3A_477 : i32
        %add3A_479 = arith.constant 3 : i32
        %add3A_480 = arith.addi %add3A_478, %add3A_479 : i32
        %swap3A_481 = arith.index_cast %add3A_480 : i32 to index
        %swap3A_482 = arith.constant 0 : index
        %swap3A_483 = tpu.vector_load %arg8[%swap3A_481, %swap3A_482] {strides = array<i32>} : memref<160x64xf32, #tpu.memory_space<vmem>>, vector<1x16xf32>,
        %swap3A_484 = vector.shape_cast %swap3A_483 : vector<1x16xf32> to vector<16xf32>
        %swap3A_485 = vector.shape_cast %get3A_376 : vector<16xf32> to vector<1x16xf32>
        tpu.vector_store %arg8[%swap3A_481, %swap3A_482], %swap3A_485 {strides = array<i32>} : memref<160x64xf32, #tpu.memory_space<vmem>>, vector<1x16xf32>,
        %swap3A_486 = arith.index_cast %add3A_480 : i32 to index
        %swap3A_487 = arith.constant 16 : index
        %swap3A_488 = tpu.vector_load %arg8[%swap3A_486, %swap3A_487] {strides = array<i32>} : memref<160x64xf32, #tpu.memory_space<vmem>>, vector<1x16xf32>,
        %swap3A_489 = vector.shape_cast %swap3A_488 : vector<1x16xf32> to vector<16xf32>
        %swap3A_490 = vector.shape_cast %get3A_380 : vector<16xf32> to vector<1x16xf32>
        tpu.vector_store %arg8[%swap3A_486, %swap3A_487], %swap3A_490 {strides = array<i32>} : memref<160x64xf32, #tpu.memory_space<vmem>>, vector<1x16xf32>,
        %swap3A_491 = arith.index_cast %add3A_480 : i32 to index
        %swap3A_492 = arith.constant 32 : index
        %swap3A_493 = tpu.vector_load %arg8[%swap3A_491, %swap3A_492] {strides = array<i32>} : memref<160x64xf32, #tpu.memory_space<vmem>>, vector<1x16xf32>,
        %swap3A_494 = vector.shape_cast %swap3A_493 : vector<1x16xf32> to vector<16xf32>
        %swap3A_495 = vector.shape_cast %get3A_384 : vector<16xf32> to vector<1x16xf32>
        tpu.vector_store %arg8[%swap3A_491, %swap3A_492], %swap3A_495 {strides = array<i32>} : memref<160x64xf32, #tpu.memory_space<vmem>>, vector<1x16xf32>,
        %swap3A_496 = arith.index_cast %add3A_480 : i32 to index
        %swap3A_497 = arith.constant 48 : index
        %swap3A_498 = tpu.vector_load %arg8[%swap3A_496, %swap3A_497] {strides = array<i32>} : memref<160x64xf32, #tpu.memory_space<vmem>>, vector<1x16xf32>,
        %swap3A_499 = vector.shape_cast %swap3A_498 : vector<1x16xf32> to vector<16xf32>
        %swap3A_500 = vector.shape_cast %get3A_388 : vector<16xf32> to vector<1x16xf32>
        tpu.vector_store %arg8[%swap3A_496, %swap3A_497], %swap3A_500 {strides = array<i32>} : memref<160x64xf32, #tpu.memory_space<vmem>>, vector<1x16xf32>,
        %slice3A_501 = vector.extract_strided_slice %get3A_135 {offsets = [8], sizes = [1], strides = [1]} : vector<16xi32> to vector<1xi32>
        %squeeze3A_502 = vector.extract %slice3A_501[0] : i32 from vector<1xi32>
        %get3A_503 = arith.index_cast %squeeze3A_502 : i32 to index
        %get3A_504 = arith.constant 0 : index
        %get3A_505 = tpu.vector_load %arg9[%get3A_503, %get3A_504] {strides = array<i32>} : memref<1440x64xf32, #tpu.memory_space<vmem>>, vector<1x16xf32>,
        %get3A_506 = vector.shape_cast %get3A_505 : vector<1x16xf32> to vector<16xf32>
        %get3A_507 = arith.index_cast %squeeze3A_502 : i32 to index
        %get3A_508 = arith.constant 16 : index
        %get3A_509 = tpu.vector_load %arg9[%get3A_507, %get3A_508] {strides = array<i32>} : memref<1440x64xf32, #tpu.memory_space<vmem>>, vector<1x16xf32>,
        %get3A_510 = vector.shape_cast %get3A_509 : vector<1x16xf32> to vector<16xf32>
        %get3A_511 = arith.index_cast %squeeze3A_502 : i32 to index
        %get3A_512 = arith.constant 32 : index
        %get3A_513 = tpu.vector_load %arg9[%get3A_511, %get3A_512] {strides = array<i32>} : memref<1440x64xf32, #tpu.memory_space<vmem>>, vector<1x16xf32>,
        %get3A_514 = vector.shape_cast %get3A_513 : vector<1x16xf32> to vector<16xf32>
        %get3A_515 = arith.index_cast %squeeze3A_502 : i32 to index
        %get3A_516 = arith.constant 48 : index
        %get3A_517 = tpu.vector_load %arg9[%get3A_515, %get3A_516] {strides = array<i32>} : memref<1440x64xf32, #tpu.memory_space<vmem>>, vector<1x16xf32>,
        %get3A_518 = vector.shape_cast %get3A_517 : vector<1x16xf32> to vector<16xf32>
        %slice3A_519 = vector.extract_strided_slice %get3A_135 {offsets = [9], sizes = [1], strides = [1]} : vector<16xi32> to vector<1xi32>
        %squeeze3A_520 = vector.extract %slice3A_519[0] : i32 from vector<1xi32>
        %get3A_521 = arith.index_cast %squeeze3A_520 : i32 to index
        %get3A_522 = arith.constant 0 : index
        %get3A_523 = tpu.vector_load %arg9[%get3A_521, %get3A_522] {strides = array<i32>} : memref<1440x64xf32, #tpu.memory_space<vmem>>, vector<1x16xf32>,
        %get3A_524 = vector.shape_cast %get3A_523 : vector<1x16xf32> to vector<16xf32>
        %get3A_525 = arith.index_cast %squeeze3A_520 : i32 to index
        %get3A_526 = arith.constant 16 : index
        %get3A_527 = tpu.vector_load %arg9[%get3A_525, %get3A_526] {strides = array<i32>} : memref<1440x64xf32, #tpu.memory_space<vmem>>, vector<1x16xf32>,
        %get3A_528 = vector.shape_cast %get3A_527 : vector<1x16xf32> to vector<16xf32>
        %get3A_529 = arith.index_cast %squeeze3A_520 : i32 to index
        %get3A_530 = arith.constant 32 : index
        %get3A_531 = tpu.vector_load %arg9[%get3A_529, %get3A_530] {strides = array<i32>} : memref<1440x64xf32, #tpu.memory_space<vmem>>, vector<1x16xf32>,
        %get3A_532 = vector.shape_cast %get3A_531 : vector<1x16xf32> to vector<16xf32>
        %get3A_533 = arith.index_cast %squeeze3A_520 : i32 to index
        %get3A_534 = arith.constant 48 : index
        %get3A_535 = tpu.vector_load %arg9[%get3A_533, %get3A_534] {strides = array<i32>} : memref<1440x64xf32, #tpu.memory_space<vmem>>, vector<1x16xf32>,
        %get3A_536 = vector.shape_cast %get3A_535 : vector<1x16xf32> to vector<16xf32>
        %slice3A_537 = vector.extract_strided_slice %get3A_135 {offsets = [10], sizes = [1], strides = [1]} : vector<16xi32> to vector<1xi32>
        %squeeze3A_538 = vector.extract %slice3A_537[0] : i32 from vector<1xi32>
        %get3A_539 = arith.index_cast %squeeze3A_538 : i32 to index
        %get3A_540 = arith.constant 0 : index
        %get3A_541 = tpu.vector_load %arg9[%get3A_539, %get3A_540] {strides = array<i32>} : memref<1440x64xf32, #tpu.memory_space<vmem>>, vector<1x16xf32>,
        %get3A_542 = vector.shape_cast %get3A_541 : vector<1x16xf32> to vector<16xf32>
        %get3A_543 = arith.index_cast %squeeze3A_538 : i32 to index
        %get3A_544 = arith.constant 16 : index
        %get3A_545 = tpu.vector_load %arg9[%get3A_543, %get3A_544] {strides = array<i32>} : memref<1440x64xf32, #tpu.memory_space<vmem>>, vector<1x16xf32>,
        %get3A_546 = vector.shape_cast %get3A_545 : vector<1x16xf32> to vector<16xf32>
        %get3A_547 = arith.index_cast %squeeze3A_538 : i32 to index
        %get3A_548 = arith.constant 32 : index
        %get3A_549 = tpu.vector_load %arg9[%get3A_547, %get3A_548] {strides = array<i32>} : memref<1440x64xf32, #tpu.memory_space<vmem>>, vector<1x16xf32>,
        %get3A_550 = vector.shape_cast %get3A_549 : vector<1x16xf32> to vector<16xf32>
        %get3A_551 = arith.index_cast %squeeze3A_538 : i32 to index
        %get3A_552 = arith.constant 48 : index
        %get3A_553 = tpu.vector_load %arg9[%get3A_551, %get3A_552] {strides = array<i32>} : memref<1440x64xf32, #tpu.memory_space<vmem>>, vector<1x16xf32>,
        %get3A_554 = vector.shape_cast %get3A_553 : vector<1x16xf32> to vector<16xf32>
        %slice3A_555 = vector.extract_strided_slice %get3A_135 {offsets = [11], sizes = [1], strides = [1]} : vector<16xi32> to vector<1xi32>
        %squeeze3A_556 = vector.extract %slice3A_555[0] : i32 from vector<1xi32>
        %get3A_557 = arith.index_cast %squeeze3A_556 : i32 to index
        %get3A_558 = arith.constant 0 : index
        %get3A_559 = tpu.vector_load %arg9[%get3A_557, %get3A_558] {strides = array<i32>} : memref<1440x64xf32, #tpu.memory_space<vmem>>, vector<1x16xf32>,
        %get3A_560 = vector.shape_cast %get3A_559 : vector<1x16xf32> to vector<16xf32>
        %get3A_561 = arith.index_cast %squeeze3A_556 : i32 to index
        %get3A_562 = arith.constant 16 : index
        %get3A_563 = tpu.vector_load %arg9[%get3A_561, %get3A_562] {strides = array<i32>} : memref<1440x64xf32, #tpu.memory_space<vmem>>, vector<1x16xf32>,
        %get3A_564 = vector.shape_cast %get3A_563 : vector<1x16xf32> to vector<16xf32>
        %get3A_565 = arith.index_cast %squeeze3A_556 : i32 to index
        %get3A_566 = arith.constant 32 : index
        %get3A_567 = tpu.vector_load %arg9[%get3A_565, %get3A_566] {strides = array<i32>} : memref<1440x64xf32, #tpu.memory_space<vmem>>, vector<1x16xf32>,
        %get3A_568 = vector.shape_cast %get3A_567 : vector<1x16xf32> to vector<16xf32>
        %get3A_569 = arith.index_cast %squeeze3A_556 : i32 to index
        %get3A_570 = arith.constant 48 : index
        %get3A_571 = tpu.vector_load %arg9[%get3A_569, %get3A_570] {strides = array<i32>} : memref<1440x64xf32, #tpu.memory_space<vmem>>, vector<1x16xf32>,
        %get3A_572 = vector.shape_cast %get3A_571 : vector<1x16xf32> to vector<16xf32>
        %mul3A_573 = arith.constant 16 : i32
        %mul3A_574 = arith.muli %scan3A_129, %mul3A_573 : i32
        %add3A_575 = arith.constant 64 : i32
        %add3A_576 = arith.addi %add3A_575, %mul3A_574 : i32
        %add3A_577 = arith.constant 8 : i32
        %add3A_578 = arith.addi %add3A_576, %add3A_577 : i32
        %add3A_579 = arith.constant 0 : i32
        %add3A_580 = arith.addi %add3A_578, %add3A_579 : i32
        %swap3A_581 = arith.index_cast %add3A_580 : i32 to index
        %swap3A_582 = arith.constant 0 : index
        %swap3A_583 = tpu.vector_load %arg8[%swap3A_581, %swap3A_582] {strides = array<i32>} : memref<160x64xf32, #tpu.memory_space<vmem>>, vector<1x16xf32>,
        %swap3A_584 = vector.shape_cast %swap3A_583 : vector<1x16xf32> to vector<16xf32>
        %swap3A_585 = vector.shape_cast %get3A_506 : vector<16xf32> to vector<1x16xf32>
        tpu.vector_store %arg8[%swap3A_581, %swap3A_582], %swap3A_585 {strides = array<i32>} : memref<160x64xf32, #tpu.memory_space<vmem>>, vector<1x16xf32>,
        %swap3A_586 = arith.index_cast %add3A_580 : i32 to index
        %swap3A_587 = arith.constant 16 : index
        %swap3A_588 = tpu.vector_load %arg8[%swap3A_586, %swap3A_587] {strides = array<i32>} : memref<160x64xf32, #tpu.memory_space<vmem>>, vector<1x16xf32>,
        %swap3A_589 = vector.shape_cast %swap3A_588 : vector<1x16xf32> to vector<16xf32>
        %swap3A_590 = vector.shape_cast %get3A_510 : vector<16xf32> to vector<1x16xf32>
        tpu.vector_store %arg8[%swap3A_586, %swap3A_587], %swap3A_590 {strides = array<i32>} : memref<160x64xf32, #tpu.memory_space<vmem>>, vector<1x16xf32>,
        %swap3A_591 = arith.index_cast %add3A_580 : i32 to index
        %swap3A_592 = arith.constant 32 : index
        %swap3A_593 = tpu.vector_load %arg8[%swap3A_591, %swap3A_592] {strides = array<i32>} : memref<160x64xf32, #tpu.memory_space<vmem>>, vector<1x16xf32>,
        %swap3A_594 = vector.shape_cast %swap3A_593 : vector<1x16xf32> to vector<16xf32>
        %swap3A_595 = vector.shape_cast %get3A_514 : vector<16xf32> to vector<1x16xf32>
        tpu.vector_store %arg8[%swap3A_591, %swap3A_592], %swap3A_595 {strides = array<i32>} : memref<160x64xf32, #tpu.memory_space<vmem>>, vector<1x16xf32>,
        %swap3A_596 = arith.index_cast %add3A_580 : i32 to index
        %swap3A_597 = arith.constant 48 : index
        %swap3A_598 = tpu.vector_load %arg8[%swap3A_596, %swap3A_597] {strides = array<i32>} : memref<160x64xf32, #tpu.memory_space<vmem>>, vector<1x16xf32>,
        %swap3A_599 = vector.shape_cast %swap3A_598 : vector<1x16xf32> to vector<16xf32>
        %swap3A_600 = vector.shape_cast %get3A_518 : vector<16xf32> to vector<1x16xf32>
        tpu.vector_store %arg8[%swap3A_596, %swap3A_597], %swap3A_600 {strides = array<i32>} : memref<160x64xf32, #tpu.memory_space<vmem>>, vector<1x16xf32>,
        %mul3A_601 = arith.constant 16 : i32
        %mul3A_602 = arith.muli %scan3A_129, %mul3A_601 : i32
        %add3A_603 = arith.constant 64 : i32
        %add3A_604 = arith.addi %add3A_603, %mul3A_602 : i32
        %add3A_605 = arith.constant 8 : i32
        %add3A_606 = arith.addi %add3A_604, %add3A_605 : i32
        %add3A_607 = arith.constant 1 : i32
        %add3A_608 = arith.addi %add3A_606, %add3A_607 : i32
        %swap3A_609 = arith.index_cast %add3A_608 : i32 to index
        %swap3A_610 = arith.constant 0 : index
        %swap3A_611 = tpu.vector_load %arg8[%swap3A_609, %swap3A_610] {strides = array<i32>} : memref<160x64xf32, #tpu.memory_space<vmem>>, vector<1x16xf32>,
        %swap3A_612 = vector.shape_cast %swap3A_611 : vector<1x16xf32> to vector<16xf32>
        %swap3A_613 = vector.shape_cast %get3A_524 : vector<16xf32> to vector<1x16xf32>
        tpu.vector_store %arg8[%swap3A_609, %swap3A_610], %swap3A_613 {strides = array<i32>} : memref<160x64xf32, #tpu.memory_space<vmem>>, vector<1x16xf32>,
        %swap3A_614 = arith.index_cast %add3A_608 : i32 to index
        %swap3A_615 = arith.constant 16 : index
        %swap3A_616 = tpu.vector_load %arg8[%swap3A_614, %swap3A_615] {strides = array<i32>} : memref<160x64xf32, #tpu.memory_space<vmem>>, vector<1x16xf32>,
        %swap3A_617 = vector.shape_cast %swap3A_616 : vector<1x16xf32> to vector<16xf32>
        %swap3A_618 = vector.shape_cast %get3A_528 : vector<16xf32> to vector<1x16xf32>
        tpu.vector_store %arg8[%swap3A_614, %swap3A_615], %swap3A_618 {strides = array<i32>} : memref<160x64xf32, #tpu.memory_space<vmem>>, vector<1x16xf32>,
        %swap3A_619 = arith.index_cast %add3A_608 : i32 to index
        %swap3A_620 = arith.constant 32 : index
        %swap3A_621 = tpu.vector_load %arg8[%swap3A_619, %swap3A_620] {strides = array<i32>} : memref<160x64xf32, #tpu.memory_space<vmem>>, vector<1x16xf32>,
        %swap3A_622 = vector.shape_cast %swap3A_621 : vector<1x16xf32> to vector<16xf32>
        %swap3A_623 = vector.shape_cast %get3A_532 : vector<16xf32> to vector<1x16xf32>
        tpu.vector_store %arg8[%swap3A_619, %swap3A_620], %swap3A_623 {strides = array<i32>} : memref<160x64xf32, #tpu.memory_space<vmem>>, vector<1x16xf32>,
        %swap3A_624 = arith.index_cast %add3A_608 : i32 to index
        %swap3A_625 = arith.constant 48 : index
        %swap3A_626 = tpu.vector_load %arg8[%swap3A_624, %swap3A_625] {strides = array<i32>} : memref<160x64xf32, #tpu.memory_space<vmem>>, vector<1x16xf32>,
        %swap3A_627 = vector.shape_cast %swap3A_626 : vector<1x16xf32> to vector<16xf32>
        %swap3A_628 = vector.shape_cast %get3A_536 : vector<16xf32> to vector<1x16xf32>
        tpu.vector_store %arg8[%swap3A_624, %swap3A_625], %swap3A_628 {strides = array<i32>} : memref<160x64xf32, #tpu.memory_space<vmem>>, vector<1x16xf32>,
        %mul3A_629 = arith.constant 16 : i32
        %mul3A_630 = arith.muli %scan3A_129, %mul3A_629 : i32
        %add3A_631 = arith.constant 64 : i32
        %add3A_632 = arith.addi %add3A_631, %mul3A_630 : i32
        %add3A_633 = arith.constant 8 : i32
        %add3A_634 = arith.addi %add3A_632, %add3A_633 : i32
        %add3A_635 = arith.constant 2 : i32
        %add3A_636 = arith.addi %add3A_634, %add3A_635 : i32
        %swap3A_637 = arith.index_cast %add3A_636 : i32 to index
        %swap3A_638 = arith.constant 0 : index
        %swap3A_639 = tpu.vector_load %arg8[%swap3A_637, %swap3A_638] {strides = array<i32>} : memref<160x64xf32, #tpu.memory_space<vmem>>, vector<1x16xf32>,
        %swap3A_640 = vector.shape_cast %swap3A_639 : vector<1x16xf32> to vector<16xf32>
        %swap3A_641 = vector.shape_cast %get3A_542 : vector<16xf32> to vector<1x16xf32>
        tpu.vector_store %arg8[%swap3A_637, %swap3A_638], %swap3A_641 {strides = array<i32>} : memref<160x64xf32, #tpu.memory_space<vmem>>, vector<1x16xf32>,
        %swap3A_642 = arith.index_cast %add3A_636 : i32 to index
        %swap3A_643 = arith.constant 16 : index
        %swap3A_644 = tpu.vector_load %arg8[%swap3A_642, %swap3A_643] {strides = array<i32>} : memref<160x64xf32, #tpu.memory_space<vmem>>, vector<1x16xf32>,
        %swap3A_645 = vector.shape_cast %swap3A_644 : vector<1x16xf32> to vector<16xf32>
        %swap3A_646 = vector.shape_cast %get3A_546 : vector<16xf32> to vector<1x16xf32>
        tpu.vector_store %arg8[%swap3A_642, %swap3A_643], %swap3A_646 {strides = array<i32>} : memref<160x64xf32, #tpu.memory_space<vmem>>, vector<1x16xf32>,
        %swap3A_647 = arith.index_cast %add3A_636 : i32 to index
        %swap3A_648 = arith.constant 32 : index
        %swap3A_649 = tpu.vector_load %arg8[%swap3A_647, %swap3A_648] {strides = array<i32>} : memref<160x64xf32, #tpu.memory_space<vmem>>, vector<1x16xf32>,
        %swap3A_650 = vector.shape_cast %swap3A_649 : vector<1x16xf32> to vector<16xf32>
        %swap3A_651 = vector.shape_cast %get3A_550 : vector<16xf32> to vector<1x16xf32>
        tpu.vector_store %arg8[%swap3A_647, %swap3A_648], %swap3A_651 {strides = array<i32>} : memref<160x64xf32, #tpu.memory_space<vmem>>, vector<1x16xf32>,
        %swap3A_652 = arith.index_cast %add3A_636 : i32 to index
        %swap3A_653 = arith.constant 48 : index
        %swap3A_654 = tpu.vector_load %arg8[%swap3A_652, %swap3A_653] {strides = array<i32>} : memref<160x64xf32, #tpu.memory_space<vmem>>, vector<1x16xf32>,
        %swap3A_655 = vector.shape_cast %swap3A_654 : vector<1x16xf32> to vector<16xf32>
        %swap3A_656 = vector.shape_cast %get3A_554 : vector<16xf32> to vector<1x16xf32>
        tpu.vector_store %arg8[%swap3A_652, %swap3A_653], %swap3A_656 {strides = array<i32>} : memref<160x64xf32, #tpu.memory_space<vmem>>, vector<1x16xf32>,
        %mul3A_657 = arith.constant 16 : i32
        %mul3A_658 = arith.muli %scan3A_129, %mul3A_657 : i32
        %add3A_659 = arith.constant 64 : i32
        %add3A_660 = arith.addi %add3A_659, %mul3A_658 : i32
        %add3A_661 = arith.constant 8 : i32
        %add3A_662 = arith.addi %add3A_660, %add3A_661 : i32
        %add3A_663 = arith.constant 3 : i32
        %add3A_664 = arith.addi %add3A_662, %add3A_663 : i32
        %swap3A_665 = arith.index_cast %add3A_664 : i32 to index
        %swap3A_666 = arith.constant 0 : index
        %swap3A_667 = tpu.vector_load %arg8[%swap3A_665, %swap3A_666] {strides = array<i32>} : memref<160x64xf32, #tpu.memory_space<vmem>>, vector<1x16xf32>,
        %swap3A_668 = vector.shape_cast %swap3A_667 : vector<1x16xf32> to vector<16xf32>
        %swap3A_669 = vector.shape_cast %get3A_560 : vector<16xf32> to vector<1x16xf32>
        tpu.vector_store %arg8[%swap3A_665, %swap3A_666], %swap3A_669 {strides = array<i32>} : memref<160x64xf32, #tpu.memory_space<vmem>>, vector<1x16xf32>,
        %swap3A_670 = arith.index_cast %add3A_664 : i32 to index
        %swap3A_671 = arith.constant 16 : index
        %swap3A_672 = tpu.vector_load %arg8[%swap3A_670, %swap3A_671] {strides = array<i32>} : memref<160x64xf32, #tpu.memory_space<vmem>>, vector<1x16xf32>,
        %swap3A_673 = vector.shape_cast %swap3A_672 : vector<1x16xf32> to vector<16xf32>
        %swap3A_674 = vector.shape_cast %get3A_564 : vector<16xf32> to vector<1x16xf32>
        tpu.vector_store %arg8[%swap3A_670, %swap3A_671], %swap3A_674 {strides = array<i32>} : memref<160x64xf32, #tpu.memory_space<vmem>>, vector<1x16xf32>,
        %swap3A_675 = arith.index_cast %add3A_664 : i32 to index
        %swap3A_676 = arith.constant 32 : index
        %swap3A_677 = tpu.vector_load %arg8[%swap3A_675, %swap3A_676] {strides = array<i32>} : memref<160x64xf32, #tpu.memory_space<vmem>>, vector<1x16xf32>,
        %swap3A_678 = vector.shape_cast %swap3A_677 : vector<1x16xf32> to vector<16xf32>
        %swap3A_679 = vector.shape_cast %get3A_568 : vector<16xf32> to vector<1x16xf32>
        tpu.vector_store %arg8[%swap3A_675, %swap3A_676], %swap3A_679 {strides = array<i32>} : memref<160x64xf32, #tpu.memory_space<vmem>>, vector<1x16xf32>,
        %swap3A_680 = arith.index_cast %add3A_664 : i32 to index
        %swap3A_681 = arith.constant 48 : index
        %swap3A_682 = tpu.vector_load %arg8[%swap3A_680, %swap3A_681] {strides = array<i32>} : memref<160x64xf32, #tpu.memory_space<vmem>>, vector<1x16xf32>,
        %swap3A_683 = vector.shape_cast %swap3A_682 : vector<1x16xf32> to vector<16xf32>
        %swap3A_684 = vector.shape_cast %get3A_572 : vector<16xf32> to vector<1x16xf32>
        tpu.vector_store %arg8[%swap3A_680, %swap3A_681], %swap3A_684 {strides = array<i32>} : memref<160x64xf32, #tpu.memory_space<vmem>>, vector<1x16xf32>,
        %slice3A_685 = vector.extract_strided_slice %get3A_135 {offsets = [12], sizes = [1], strides = [1]} : vector<16xi32> to vector<1xi32>
        %squeeze3A_686 = vector.extract %slice3A_685[0] : i32 from vector<1xi32>
        %get3A_687 = arith.index_cast %squeeze3A_686 : i32 to index
        %get3A_688 = arith.constant 0 : index
        %get3A_689 = tpu.vector_load %arg9[%get3A_687, %get3A_688] {strides = array<i32>} : memref<1440x64xf32, #tpu.memory_space<vmem>>, vector<1x16xf32>,
        %get3A_690 = vector.shape_cast %get3A_689 : vector<1x16xf32> to vector<16xf32>
        %get3A_691 = arith.index_cast %squeeze3A_686 : i32 to index
        %get3A_692 = arith.constant 16 : index
        %get3A_693 = tpu.vector_load %arg9[%get3A_691, %get3A_692] {strides = array<i32>} : memref<1440x64xf32, #tpu.memory_space<vmem>>, vector<1x16xf32>,
        %get3A_694 = vector.shape_cast %get3A_693 : vector<1x16xf32> to vector<16xf32>
        %get3A_695 = arith.index_cast %squeeze3A_686 : i32 to index
        %get3A_696 = arith.constant 32 : index
        %get3A_697 = tpu.vector_load %arg9[%get3A_695, %get3A_696] {strides = array<i32>} : memref<1440x64xf32, #tpu.memory_space<vmem>>, vector<1x16xf32>,
        %get3A_698 = vector.shape_cast %get3A_697 : vector<1x16xf32> to vector<16xf32>
        %get3A_699 = arith.index_cast %squeeze3A_686 : i32 to index
        %get3A_700 = arith.constant 48 : index
        %get3A_701 = tpu.vector_load %arg9[%get3A_699, %get3A_700] {strides = array<i32>} : memref<1440x64xf32, #tpu.memory_space<vmem>>, vector<1x16xf32>,
        %get3A_702 = vector.shape_cast %get3A_701 : vector<1x16xf32> to vector<16xf32>
        %slice3A_703 = vector.extract_strided_slice %get3A_135 {offsets = [13], sizes = [1], strides = [1]} : vector<16xi32> to vector<1xi32>
        %squeeze3A_704 = vector.extract %slice3A_703[0] : i32 from vector<1xi32>
        %get3A_705 = arith.index_cast %squeeze3A_704 : i32 to index
        %get3A_706 = arith.constant 0 : index
        %get3A_707 = tpu.vector_load %arg9[%get3A_705, %get3A_706] {strides = array<i32>} : memref<1440x64xf32, #tpu.memory_space<vmem>>, vector<1x16xf32>,
        %get3A_708 = vector.shape_cast %get3A_707 : vector<1x16xf32> to vector<16xf32>
        %get3A_709 = arith.index_cast %squeeze3A_704 : i32 to index
        %get3A_710 = arith.constant 16 : index
        %get3A_711 = tpu.vector_load %arg9[%get3A_709, %get3A_710] {strides = array<i32>} : memref<1440x64xf32, #tpu.memory_space<vmem>>, vector<1x16xf32>,
        %get3A_712 = vector.shape_cast %get3A_711 : vector<1x16xf32> to vector<16xf32>
        %get3A_713 = arith.index_cast %squeeze3A_704 : i32 to index
        %get3A_714 = arith.constant 32 : index
        %get3A_715 = tpu.vector_load %arg9[%get3A_713, %get3A_714] {strides = array<i32>} : memref<1440x64xf32, #tpu.memory_space<vmem>>, vector<1x16xf32>,
        %get3A_716 = vector.shape_cast %get3A_715 : vector<1x16xf32> to vector<16xf32>
        %get3A_717 = arith.index_cast %squeeze3A_704 : i32 to index
        %get3A_718 = arith.constant 48 : index
        %get3A_719 = tpu.vector_load %arg9[%get3A_717, %get3A_718] {strides = array<i32>} : memref<1440x64xf32, #tpu.memory_space<vmem>>, vector<1x16xf32>,
        %get3A_720 = vector.shape_cast %get3A_719 : vector<1x16xf32> to vector<16xf32>
        %slice3A_721 = vector.extract_strided_slice %get3A_135 {offsets = [14], sizes = [1], strides = [1]} : vector<16xi32> to vector<1xi32>
        %squeeze3A_722 = vector.extract %slice3A_721[0] : i32 from vector<1xi32>
        %get3A_723 = arith.index_cast %squeeze3A_722 : i32 to index
        %get3A_724 = arith.constant 0 : index
        %get3A_725 = tpu.vector_load %arg9[%get3A_723, %get3A_724] {strides = array<i32>} : memref<1440x64xf32, #tpu.memory_space<vmem>>, vector<1x16xf32>,
        %get3A_726 = vector.shape_cast %get3A_725 : vector<1x16xf32> to vector<16xf32>
        %get3A_727 = arith.index_cast %squeeze3A_722 : i32 to index
        %get3A_728 = arith.constant 16 : index
        %get3A_729 = tpu.vector_load %arg9[%get3A_727, %get3A_728] {strides = array<i32>} : memref<1440x64xf32, #tpu.memory_space<vmem>>, vector<1x16xf32>,
        %get3A_730 = vector.shape_cast %get3A_729 : vector<1x16xf32> to vector<16xf32>
        %get3A_731 = arith.index_cast %squeeze3A_722 : i32 to index
        %get3A_732 = arith.constant 32 : index
        %get3A_733 = tpu.vector_load %arg9[%get3A_731, %get3A_732] {strides = array<i32>} : memref<1440x64xf32, #tpu.memory_space<vmem>>, vector<1x16xf32>,
        %get3A_734 = vector.shape_cast %get3A_733 : vector<1x16xf32> to vector<16xf32>
        %get3A_735 = arith.index_cast %squeeze3A_722 : i32 to index
        %get3A_736 = arith.constant 48 : index
        %get3A_737 = tpu.vector_load %arg9[%get3A_735, %get3A_736] {strides = array<i32>} : memref<1440x64xf32, #tpu.memory_space<vmem>>, vector<1x16xf32>,
        %get3A_738 = vector.shape_cast %get3A_737 : vector<1x16xf32> to vector<16xf32>
        %slice3A_739 = vector.extract_strided_slice %get3A_135 {offsets = [15], sizes = [1], strides = [1]} : vector<16xi32> to vector<1xi32>
        %squeeze3A_740 = vector.extract %slice3A_739[0] : i32 from vector<1xi32>
        %get3A_741 = arith.index_cast %squeeze3A_740 : i32 to index
        %get3A_742 = arith.constant 0 : index
        %get3A_743 = tpu.vector_load %arg9[%get3A_741, %get3A_742] {strides = array<i32>} : memref<1440x64xf32, #tpu.memory_space<vmem>>, vector<1x16xf32>,
        %get3A_744 = vector.shape_cast %get3A_743 : vector<1x16xf32> to vector<16xf32>
        %get3A_745 = arith.index_cast %squeeze3A_740 : i32 to index
        %get3A_746 = arith.constant 16 : index
        %get3A_747 = tpu.vector_load %arg9[%get3A_745, %get3A_746] {strides = array<i32>} : memref<1440x64xf32, #tpu.memory_space<vmem>>, vector<1x16xf32>,
        %get3A_748 = vector.shape_cast %get3A_747 : vector<1x16xf32> to vector<16xf32>
        %get3A_749 = arith.index_cast %squeeze3A_740 : i32 to index
        %get3A_750 = arith.constant 32 : index
        %get3A_751 = tpu.vector_load %arg9[%get3A_749, %get3A_750] {strides = array<i32>} : memref<1440x64xf32, #tpu.memory_space<vmem>>, vector<1x16xf32>,
        %get3A_752 = vector.shape_cast %get3A_751 : vector<1x16xf32> to vector<16xf32>
        %get3A_753 = arith.index_cast %squeeze3A_740 : i32 to index
        %get3A_754 = arith.constant 48 : index
        %get3A_755 = tpu.vector_load %arg9[%get3A_753, %get3A_754] {strides = array<i32>} : memref<1440x64xf32, #tpu.memory_space<vmem>>, vector<1x16xf32>,
        %get3A_756 = vector.shape_cast %get3A_755 : vector<1x16xf32> to vector<16xf32>
        %mul3A_757 = arith.constant 16 : i32
        %mul3A_758 = arith.muli %scan3A_129, %mul3A_757 : i32
        %add3A_759 = arith.constant 64 : i32
        %add3A_760 = arith.addi %add3A_759, %mul3A_758 : i32
        %add3A_761 = arith.constant 12 : i32
        %add3A_762 = arith.addi %add3A_760, %add3A_761 : i32
        %add3A_763 = arith.constant 0 : i32
        %add3A_764 = arith.addi %add3A_762, %add3A_763 : i32
        %swap3A_765 = arith.index_cast %add3A_764 : i32 to index
        %swap3A_766 = arith.constant 0 : index
        %swap3A_767 = tpu.vector_load %arg8[%swap3A_765, %swap3A_766] {strides = array<i32>} : memref<160x64xf32, #tpu.memory_space<vmem>>, vector<1x16xf32>,
        %swap3A_768 = vector.shape_cast %swap3A_767 : vector<1x16xf32> to vector<16xf32>
        %swap3A_769 = vector.shape_cast %get3A_690 : vector<16xf32> to vector<1x16xf32>
        tpu.vector_store %arg8[%swap3A_765, %swap3A_766], %swap3A_769 {strides = array<i32>} : memref<160x64xf32, #tpu.memory_space<vmem>>, vector<1x16xf32>,
        %swap3A_770 = arith.index_cast %add3A_764 : i32 to index
        %swap3A_771 = arith.constant 16 : index
        %swap3A_772 = tpu.vector_load %arg8[%swap3A_770, %swap3A_771] {strides = array<i32>} : memref<160x64xf32, #tpu.memory_space<vmem>>, vector<1x16xf32>,
        %swap3A_773 = vector.shape_cast %swap3A_772 : vector<1x16xf32> to vector<16xf32>
        %swap3A_774 = vector.shape_cast %get3A_694 : vector<16xf32> to vector<1x16xf32>
        tpu.vector_store %arg8[%swap3A_770, %swap3A_771], %swap3A_774 {strides = array<i32>} : memref<160x64xf32, #tpu.memory_space<vmem>>, vector<1x16xf32>,
        %swap3A_775 = arith.index_cast %add3A_764 : i32 to index
        %swap3A_776 = arith.constant 32 : index
        %swap3A_777 = tpu.vector_load %arg8[%swap3A_775, %swap3A_776] {strides = array<i32>} : memref<160x64xf32, #tpu.memory_space<vmem>>, vector<1x16xf32>,
        %swap3A_778 = vector.shape_cast %swap3A_777 : vector<1x16xf32> to vector<16xf32>
        %swap3A_779 = vector.shape_cast %get3A_698 : vector<16xf32> to vector<1x16xf32>
        tpu.vector_store %arg8[%swap3A_775, %swap3A_776], %swap3A_779 {strides = array<i32>} : memref<160x64xf32, #tpu.memory_space<vmem>>, vector<1x16xf32>,
        %swap3A_780 = arith.index_cast %add3A_764 : i32 to index
        %swap3A_781 = arith.constant 48 : index
        %swap3A_782 = tpu.vector_load %arg8[%swap3A_780, %swap3A_781] {strides = array<i32>} : memref<160x64xf32, #tpu.memory_space<vmem>>, vector<1x16xf32>,
        %swap3A_783 = vector.shape_cast %swap3A_782 : vector<1x16xf32> to vector<16xf32>
        %swap3A_784 = vector.shape_cast %get3A_702 : vector<16xf32> to vector<1x16xf32>
        tpu.vector_store %arg8[%swap3A_780, %swap3A_781], %swap3A_784 {strides = array<i32>} : memref<160x64xf32, #tpu.memory_space<vmem>>, vector<1x16xf32>,
        %mul3A_785 = arith.constant 16 : i32
        %mul3A_786 = arith.muli %scan3A_129, %mul3A_785 : i32
        %add3A_787 = arith.constant 64 : i32
        %add3A_788 = arith.addi %add3A_787, %mul3A_786 : i32
        %add3A_789 = arith.constant 12 : i32
        %add3A_790 = arith.addi %add3A_788, %add3A_789 : i32
        %add3A_791 = arith.constant 1 : i32
        %add3A_792 = arith.addi %add3A_790, %add3A_791 : i32
        %swap3A_793 = arith.index_cast %add3A_792 : i32 to index
        %swap3A_794 = arith.constant 0 : index
        %swap3A_795 = tpu.vector_load %arg8[%swap3A_793, %swap3A_794] {strides = array<i32>} : memref<160x64xf32, #tpu.memory_space<vmem>>, vector<1x16xf32>,
        %swap3A_796 = vector.shape_cast %swap3A_795 : vector<1x16xf32> to vector<16xf32>
        %swap3A_797 = vector.shape_cast %get3A_708 : vector<16xf32> to vector<1x16xf32>
        tpu.vector_store %arg8[%swap3A_793, %swap3A_794], %swap3A_797 {strides = array<i32>} : memref<160x64xf32, #tpu.memory_space<vmem>>, vector<1x16xf32>,
        %swap3A_798 = arith.index_cast %add3A_792 : i32 to index
        %swap3A_799 = arith.constant 16 : index
        %swap3A_800 = tpu.vector_load %arg8[%swap3A_798, %swap3A_799] {strides = array<i32>} : memref<160x64xf32, #tpu.memory_space<vmem>>, vector<1x16xf32>,
        %swap3A_801 = vector.shape_cast %swap3A_800 : vector<1x16xf32> to vector<16xf32>
        %swap3A_802 = vector.shape_cast %get3A_712 : vector<16xf32> to vector<1x16xf32>
        tpu.vector_store %arg8[%swap3A_798, %swap3A_799], %swap3A_802 {strides = array<i32>} : memref<160x64xf32, #tpu.memory_space<vmem>>, vector<1x16xf32>,
        %swap3A_803 = arith.index_cast %add3A_792 : i32 to index
        %swap3A_804 = arith.constant 32 : index
        %swap3A_805 = tpu.vector_load %arg8[%swap3A_803, %swap3A_804] {strides = array<i32>} : memref<160x64xf32, #tpu.memory_space<vmem>>, vector<1x16xf32>,
        %swap3A_806 = vector.shape_cast %swap3A_805 : vector<1x16xf32> to vector<16xf32>
        %swap3A_807 = vector.shape_cast %get3A_716 : vector<16xf32> to vector<1x16xf32>
        tpu.vector_store %arg8[%swap3A_803, %swap3A_804], %swap3A_807 {strides = array<i32>} : memref<160x64xf32, #tpu.memory_space<vmem>>, vector<1x16xf32>,
        %swap3A_808 = arith.index_cast %add3A_792 : i32 to index
        %swap3A_809 = arith.constant 48 : index
        %swap3A_810 = tpu.vector_load %arg8[%swap3A_808, %swap3A_809] {strides = array<i32>} : memref<160x64xf32, #tpu.memory_space<vmem>>, vector<1x16xf32>,
        %swap3A_811 = vector.shape_cast %swap3A_810 : vector<1x16xf32> to vector<16xf32>
        %swap3A_812 = vector.shape_cast %get3A_720 : vector<16xf32> to vector<1x16xf32>
        tpu.vector_store %arg8[%swap3A_808, %swap3A_809], %swap3A_812 {strides = array<i32>} : memref<160x64xf32, #tpu.memory_space<vmem>>, vector<1x16xf32>,
        %mul3A_813 = arith.constant 16 : i32
        %mul3A_814 = arith.muli %scan3A_129, %mul3A_813 : i32
        %add3A_815 = arith.constant 64 : i32
        %add3A_816 = arith.addi %add3A_815, %mul3A_814 : i32
        %add3A_817 = arith.constant 12 : i32
        %add3A_818 = arith.addi %add3A_816, %add3A_817 : i32
        %add3A_819 = arith.constant 2 : i32
        %add3A_820 = arith.addi %add3A_818, %add3A_819 : i32
        %swap3A_821 = arith.index_cast %add3A_820 : i32 to index
        %swap3A_822 = arith.constant 0 : index
        %swap3A_823 = tpu.vector_load %arg8[%swap3A_821, %swap3A_822] {strides = array<i32>} : memref<160x64xf32, #tpu.memory_space<vmem>>, vector<1x16xf32>,
        %swap3A_824 = vector.shape_cast %swap3A_823 : vector<1x16xf32> to vector<16xf32>
        %swap3A_825 = vector.shape_cast %get3A_726 : vector<16xf32> to vector<1x16xf32>
        tpu.vector_store %arg8[%swap3A_821, %swap3A_822], %swap3A_825 {strides = array<i32>} : memref<160x64xf32, #tpu.memory_space<vmem>>, vector<1x16xf32>,
        %swap3A_826 = arith.index_cast %add3A_820 : i32 to index
        %swap3A_827 = arith.constant 16 : index
        %swap3A_828 = tpu.vector_load %arg8[%swap3A_826, %swap3A_827] {strides = array<i32>} : memref<160x64xf32, #tpu.memory_space<vmem>>, vector<1x16xf32>,
        %swap3A_829 = vector.shape_cast %swap3A_828 : vector<1x16xf32> to vector<16xf32>
        %swap3A_830 = vector.shape_cast %get3A_730 : vector<16xf32> to vector<1x16xf32>
        tpu.vector_store %arg8[%swap3A_826, %swap3A_827], %swap3A_830 {strides = array<i32>} : memref<160x64xf32, #tpu.memory_space<vmem>>, vector<1x16xf32>,
        %swap3A_831 = arith.index_cast %add3A_820 : i32 to index
        %swap3A_832 = arith.constant 32 : index
        %swap3A_833 = tpu.vector_load %arg8[%swap3A_831, %swap3A_832] {strides = array<i32>} : memref<160x64xf32, #tpu.memory_space<vmem>>, vector<1x16xf32>,
        %swap3A_834 = vector.shape_cast %swap3A_833 : vector<1x16xf32> to vector<16xf32>
        %swap3A_835 = vector.shape_cast %get3A_734 : vector<16xf32> to vector<1x16xf32>
        tpu.vector_store %arg8[%swap3A_831, %swap3A_832], %swap3A_835 {strides = array<i32>} : memref<160x64xf32, #tpu.memory_space<vmem>>, vector<1x16xf32>,
        %swap3A_836 = arith.index_cast %add3A_820 : i32 to index
        %swap3A_837 = arith.constant 48 : index
        %swap3A_838 = tpu.vector_load %arg8[%swap3A_836, %swap3A_837] {strides = array<i32>} : memref<160x64xf32, #tpu.memory_space<vmem>>, vector<1x16xf32>,
        %swap3A_839 = vector.shape_cast %swap3A_838 : vector<1x16xf32> to vector<16xf32>
        %swap3A_840 = vector.shape_cast %get3A_738 : vector<16xf32> to vector<1x16xf32>
        tpu.vector_store %arg8[%swap3A_836, %swap3A_837], %swap3A_840 {strides = array<i32>} : memref<160x64xf32, #tpu.memory_space<vmem>>, vector<1x16xf32>,
        %mul3A_841 = arith.constant 16 : i32
        %mul3A_842 = arith.muli %scan3A_129, %mul3A_841 : i32
        %add3A_843 = arith.constant 64 : i32
        %add3A_844 = arith.addi %add3A_843, %mul3A_842 : i32
        %add3A_845 = arith.constant 12 : i32
        %add3A_846 = arith.addi %add3A_844, %add3A_845 : i32
        %add3A_847 = arith.constant 3 : i32
        %add3A_848 = arith.addi %add3A_846, %add3A_847 : i32
        %swap3A_849 = arith.index_cast %add3A_848 : i32 to index
        %swap3A_850 = arith.constant 0 : index
        %swap3A_851 = tpu.vector_load %arg8[%swap3A_849, %swap3A_850] {strides = array<i32>} : memref<160x64xf32, #tpu.memory_space<vmem>>, vector<1x16xf32>,
        %swap3A_852 = vector.shape_cast %swap3A_851 : vector<1x16xf32> to vector<16xf32>
        %swap3A_853 = vector.shape_cast %get3A_744 : vector<16xf32> to vector<1x16xf32>
        tpu.vector_store %arg8[%swap3A_849, %swap3A_850], %swap3A_853 {strides = array<i32>} : memref<160x64xf32, #tpu.memory_space<vmem>>, vector<1x16xf32>,
        %swap3A_854 = arith.index_cast %add3A_848 : i32 to index
        %swap3A_855 = arith.constant 16 : index
        %swap3A_856 = tpu.vector_load %arg8[%swap3A_854, %swap3A_855] {strides = array<i32>} : memref<160x64xf32, #tpu.memory_space<vmem>>, vector<1x16xf32>,
        %swap3A_857 = vector.shape_cast %swap3A_856 : vector<1x16xf32> to vector<16xf32>
        %swap3A_858 = vector.shape_cast %get3A_748 : vector<16xf32> to vector<1x16xf32>
        tpu.vector_store %arg8[%swap3A_854, %swap3A_855], %swap3A_858 {strides = array<i32>} : memref<160x64xf32, #tpu.memory_space<vmem>>, vector<1x16xf32>,
        %swap3A_859 = arith.index_cast %add3A_848 : i32 to index
        %swap3A_860 = arith.constant 32 : index
        %swap3A_861 = tpu.vector_load %arg8[%swap3A_859, %swap3A_860] {strides = array<i32>} : memref<160x64xf32, #tpu.memory_space<vmem>>, vector<1x16xf32>,
        %swap3A_862 = vector.shape_cast %swap3A_861 : vector<1x16xf32> to vector<16xf32>
        %swap3A_863 = vector.shape_cast %get3A_752 : vector<16xf32> to vector<1x16xf32>
        tpu.vector_store %arg8[%swap3A_859, %swap3A_860], %swap3A_863 {strides = array<i32>} : memref<160x64xf32, #tpu.memory_space<vmem>>, vector<1x16xf32>,
        %swap3A_864 = arith.index_cast %add3A_848 : i32 to index
        %swap3A_865 = arith.constant 48 : index
        %swap3A_866 = tpu.vector_load %arg8[%swap3A_864, %swap3A_865] {strides = array<i32>} : memref<160x64xf32, #tpu.memory_space<vmem>>, vector<1x16xf32>,
        %swap3A_867 = vector.shape_cast %swap3A_866 : vector<1x16xf32> to vector<16xf32>
        %swap3A_868 = vector.shape_cast %get3A_756 : vector<16xf32> to vector<1x16xf32>
        tpu.vector_store %arg8[%swap3A_864, %swap3A_865], %swap3A_868 {strides = array<i32>} : memref<160x64xf32, #tpu.memory_space<vmem>>, vector<1x16xf32>,
      }
      %scan3A_106 = arith.constant 6 : i32
      %dma_wait3A_107 = arith.constant 0 : i32
      %dma_wait3A_108 = arith.constant 0 : i32
      %dma_wait3A_109 = tpu.memref_slice %arg8[%dma_wait3A_107, %dma_wait3A_108] : memref<160x64xf32, #tpu.memory_space<vmem>> -> memref<64x64xf32, #tpu.memory_space<vmem>>
      %dma_wait3A_110 = arith.constant 0 : i32
      %dma_wait3A_111 = tpu.memref_slice %arg6[%dma_wait3A_110] : memref<160xi32, #tpu.memory_space<vmem>> -> memref<64xi32, #tpu.memory_space<vmem>>
      %dma_wait3A_112 = arith.constant 0 : i32
      %dma_wait3A_113 = arith.constant 0 : i32
      %dma_wait3A_114 = tpu.memref_slice %arg10[%dma_wait3A_112, %dma_wait3A_113] : memref<1440x64xf32, #tpu.memory_space<vmem_shared>> -> memref<1440x64xf32, #tpu.memory_space<vmem_shared>>
      tpu.wait_indirect_dma semaphore(%arg14 : memref<!tpu.dma_semaphore, #tpu.memory_space<semaphore_mem>>) src(%dma_wait3A_114 : memref<1440x64xf32, #tpu.memory_space<vmem_shared>>) dst(%dma_wait3A_109 : memref<64x64xf32, #tpu.memory_space<vmem>>)
      %add3A_115 = arith.constant 2 : i32
      %add3A_116 = arith.addi %add3A_81, %add3A_115 : i32
      %lt3A_117 = arith.constant 160 : i32
      %lt3A_118 = arith.cmpi slt, %add3A_116, %lt3A_117 : i32
      %convert_element_type3A_119 = arith.extui %lt3A_118 : i1 to i32
      %cond3A_120 = arith.constant 0 : i32
      %cond3A_121 = arith.cmpi ne, %convert_element_type3A_119, %cond3A_120 : i32
      scf.if %cond3A_121 {
        %add3A_129 = arith.constant 2 : i32
        %add3A_130 = arith.addi %add3A_81, %add3A_129 : i32
        %mul3A_131 = arith.constant 160 : i32
        %mul3A_132 = arith.muli %add3A_130, %mul3A_131 : i32
        %add3A_133 = arith.addi %multiple_of3A, %mul3A_132 : i32
        %multiple_of3A_134 = tpu.assume_multiple %add3A_133, 8 : i32
        %dma_start3A_135 = tpu.memref_slice %arg2[%multiple_of3A_134] : memref<819200xi32, #tpu.memory_space<hbm>> -> memref<160xi32, #tpu.memory_space<hbm>>
        %dma_start3A_136 = tpu.memref_slice %arg2[%multiple_of3A_134] : memref<819200xi32, #tpu.memory_space<hbm>> -> memref<160xi32, #tpu.memory_space<hbm>>
        tpu.enqueue_dma source(%dma_start3A_136 : memref<160xi32, #tpu.memory_space<hbm>>) target(%arg6 : memref<160xi32, #tpu.memory_space<vmem>>) target_semaphore(%arg12 : memref<!tpu.dma_semaphore, #tpu.memory_space<semaphore_mem>>)
      } else {
      }
      %mul3A_122 = arith.constant 160 : i32
      %mul3A_123 = arith.muli %add3A_81, %mul3A_122 : i32
      %add3A_124 = arith.addi %multiple_of3A, %mul3A_123 : i32
      %dma_start3A_125 = arith.constant 0 : i32
      %dma_start3A_126 = tpu.memref_slice %arg4[%add3A_124, %dma_start3A_125] : memref<819200x64xf32, #tpu.memory_space<hbm>> -> memref<160x64xf32, #tpu.memory_space<hbm>>
      %dma_start3A_127 = arith.constant 0 : i32
      %dma_start3A_128 = tpu.memref_slice %arg4[%add3A_124, %dma_start3A_127] : memref<819200x64xf32, #tpu.memory_space<hbm>> -> memref<160x64xf32, #tpu.memory_space<hbm>>
      tpu.enqueue_dma source(%arg8 : memref<160x64xf32, #tpu.memory_space<vmem>>) target(%dma_start3A_128 : memref<160x64xf32, #tpu.memory_space<hbm>>) target_semaphore(%arg16 : memref<!tpu.dma_semaphore, #tpu.memory_space<semaphore_mem>>)
    }
    %scan3A_18 = arith.constant 80 : i32
    %add3A_19 = arith.constant 25280 : i32
    %add3A_20 = arith.addi %multiple_of3A, %add3A_19 : i32
    %dma_wait3A = arith.constant 0 : i32
    %dma_wait3A_21 = tpu.memref_slice %arg4[%add3A_20, %dma_wait3A] : memref<819200x64xf32, #tpu.memory_space<hbm>> -> memref<160x64xf32, #tpu.memory_space<hbm>>
    %dma_wait3A_22 = arith.constant 0 : i32
    %dma_wait3A_23 = tpu.memref_slice %arg4[%add3A_20, %dma_wait3A_22] : memref<819200x64xf32, #tpu.memory_space<hbm>> -> memref<160x64xf32, #tpu.memory_space<hbm>>
    tpu.wait_dma2 semaphore(%arg15 : memref<!tpu.dma_semaphore, #tpu.memory_space<semaphore_mem>>) src(%arg7 : memref<160x64xf32, #tpu.memory_space<vmem>>) dst(%dma_wait3A_23 : memref<160x64xf32, #tpu.memory_space<hbm>>)
    %add3A_24 = arith.constant 25440 : i32
    %add3A_25 = arith.addi %multiple_of3A, %add3A_24 : i32
    %dma_wait3A_26 = arith.constant 0 : i32
    %dma_wait3A_27 = tpu.memref_slice %arg4[%add3A_25, %dma_wait3A_26] : memref<819200x64xf32, #tpu.memory_space<hbm>> -> memref<160x64xf32, #tpu.memory_space<hbm>>
    %dma_wait3A_28 = arith.constant 0 : i32
    %dma_wait3A_29 = tpu.memref_slice %arg4[%add3A_25, %dma_wait3A_28] : memref<819200x64xf32, #tpu.memory_space<hbm>> -> memref<160x64xf32, #tpu.memory_space<hbm>>
    tpu.wait_dma2 semaphore(%arg16 : memref<!tpu.dma_semaphore, #tpu.memory_space<semaphore_mem>>) src(%arg8 : memref<160x64xf32, #tpu.memory_space<vmem>>) dst(%dma_wait3A_29 : memref<160x64xf32, #tpu.memory_space<hbm>>)
    return
  }
}

</mosaic_0001>

<sc_bundles>
// kernel: kernel.3.cloned.1.call-start
scs
__scs_entry_jumppad:
0x0: {  	(pc) =	sbr.rel $0x88, $3  }
0x1: {  	(tag) =	ssettag $0x0;
	lr =	simm.s32 $0x1  }
0x2: {  	[smem:$0x3F9F] =	sst lr;
	_ =	strace $0xD0000000  }
0x3: {  	_ = 	snop  }
0x4: {  	_ = 	snop  }
0x5: {  	_ = 	snop  }
0x6: {  	_ = 	snop  }
0x7: {  	_ = 	snop  }
__scs_overlays_trampoline_lowered:
0x8: {  	[smem:$0x3FAE] =	sst s0  }
0x9: {  	[smem:$0x3FAF] =	sst s1  }
0xa: {  	[smem:$0x3FB0] =	sst s2  }
0xb: {  	[smem:$0x3FB1] =	sst s3  }
0xc: {  	[smem:$0x3FB2] =	sst s4  }
0xd: {  	[smem:$0x3FB3] =	sst s5  }
0xe: {  	[smem:$0x3FB4] =	sst s6  }
0xf: {  	[smem:$0x3FB5] =	sst s7  }
0x10: {  	[smem:$0x3FB6] =	sst s8  }
0x11: {  	[smem:$0x3FB7] =	sst s9;
	s0 =	simm.s32 @!p0 $0x0  }
0x12: {  	s1 =	sld [smem:$0x3F9D];
	s0 =	simm.s32 @p0 $0x1  }
0x13: {  	[smem:$0x3FB8] =	sst s0;
	s0 =	simm.s32 @!p1 $0x0  }
0x14: {  	s2 =	sld [smem:$0x3F9C];
	s0 =	simm.s32 @p1 $0x1  }
0x15: {  	[smem:$0x3FB9] =	sst s0;
	s0 =	simm.s32 @!p2 $0x0  }
0x16: {  	s3 =	sld [smem:$0x3FDB];
	s0 =	simm.s32 @p2 $0x1  }
0x17: {  	s4 =	simm.s32 $0x1BF5;
	[smem:$0x3FBB] =	sst s0  }
0x18: {  	s0 =	sld [smem:$0x3F9E];
	_ =	swait.ge [sflag:s4], $0x0  }
0x19: {  	s7 =	sld [smem:$0x3F9F]  }
0x1a: {  	s8 =	sadd.s32 $0xFFFFE003, lr  }
0x1b: {  	s9 =	sadd.s32 $0xFFFFFEF7, lr;
	s5 =	simm.s32 $0xFFFFFFFF;
	p2 =	slt.u32 s8, $0xFFFFF086  }
0x1c: {  	p1 =	slt.u32 s9, $0xF7A;
	s5 =	simm.s32 @!p2 $0x0  }
0x1d: {  	s5 =	simm.s32 @p1 $0x1;
	p0 =	seq.s32 s7, s2  }
0x1e: {  	s7 =	smul.u32 @!p0 $0xF7A, s2;
	p2 =	seq.s32 @!p0 s5, $0x0  }
0x1f: {  	s9 =	smul.u32 $0xF7A, s1;
	s8 =	simm.s32 @!p0 $0x1BF5;
	p2 =	por !p2, p0  }
0x20: {  	[sflag:s8] =	ssyncset.s32 @!p0 $0xFFFFF086;
	s6 =	sadd.s32 @!p0 s3, s7;
	s7 =	simm.s32 @!p0 $0x108  }
0x21: {  	s3 =	sadd.s32 s3, s9;
	s6 =	sadd.s32 @!p0 $0x88, s6;
	s7 =	simm.s32 @p2 $0x1082  }
0x22: {  	[simem:s7], [sflag:s8] =	dma.local @!p0 [hbm:s6], $0xF7A  }
0x23: {  	s9 =	sor.u32 $0xD0000000, s2;
	s6 =	simm.s32 $0x108;
	_ =	swait.ge @!p0 [sflag:s8], $0x0  }
0x24: {  	s3 =	sadd.s32 $0x88, s3;
	s6 =	simm.s32 @!p1 $0x1082;
	[sflag:s4] =	ssyncset.s32 $0xFFFFF086  }
0x25: {  	[simem:s6], [sflag:s4] =	dma.local [hbm:s3], $0xF7A  }
0x26: {  	[smem:$0x3F9F] =	sst s1;
	(tag) =	ssettag s2;
	_ =	strace s9  }
0x27: {  	s1 =	sld [smem:$0x3FAF]  }
0x28: {  	s2 =	sld [smem:$0x3FB0]  }
0x29: {  	s4 =	sld [smem:$0x3FB2]  }
0x2a: {  	p0 =	seq.s32 s5, $0x0;
	s5 =	sld [smem:$0x3FB3]  }
0x2b: {  	s6 =	sld [smem:$0x3FB4]  }
0x2c: {  	s7 =	sld [smem:$0x3FB5]  }
0x2d: {  	s3 =	simm.s32 $0x108;
	s8 =	sld [smem:$0x3FB6]  }
0x2e: {  	s3 =	simm.s32 @!p0 $0x1082;
	s9 =	sld [smem:$0x3FB7]  }
0x2f: {  	lr =	sadd.s32 s0, s3;
	s0 =	sld [smem:$0x3FAE]  }
0x30: {  	s3 =	sld [smem:$0x3FB1]  }
0x31: {  	[smem:$0x3FBA] =	sst s10  }
0x32: {  	s10 =	sld [smem:$0x3FB8];
	_ =	sdelay $0x3  }
0x33: {  	p0 =	seq.s32 s10, $0x1;
	s10 =	sld [smem:$0x3FBA];
	_ =	sdelay $0x3  }
0x34: {  	[smem:$0x3FBA] =	sst s10  }
0x35: {  	s10 =	sld [smem:$0x3FB9];
	_ =	sdelay $0x3  }
0x36: {  	p1 =	seq.s32 s10, $0x1;
	s10 =	sld [smem:$0x3FBA];
	_ =	sdelay $0x3  }
0x37: {  	[smem:$0x3FBA] =	sst s10  }
0x38: {  	s10 =	sld [smem:$0x3FBB]  }
0x39: {  	_ = 	snop;
	(pc) =	sbr.ind lr, $3  }
0x3a: {  	_ = 	snop  }
0x3b: {  	_ = 	snop  }
0x3c: {  	p2 =	seq.s32 s10, $0x1;
	s10 =	sld [smem:$0x3FBA]  }
0x3d: {  	_ =	shalt  }
0x3e: {  	_ =	shalt  }
0x3f: {  	_ =	shalt  }
0x40: {  	_ =	shalt  }
0x41: {  	_ =	shalt  }
0x42: {  	_ =	shalt  }
0x43: {  	_ =	shalt  }
0x44: {  	_ =	shalt  }
0x45: {  	_ =	shalt  }
0x46: {  	_ =	shalt  }
0x47: {  	_ =	shalt  }
0x48: {  	_ =	shalt  }
0x49: {  	_ =	shalt  }
0x4a: {  	_ =	shalt  }
0x4b: {  	_ =	shalt  }
0x4c: {  	_ =	shalt  }
0x4d: {  	_ =	shalt  }
0x4e: {  	_ =	shalt  }
0x4f: {  	_ =	shalt  }
0x50: {  	_ =	shalt  }
0x51: {  	_ =	shalt  }
0x52: {  	_ =	shalt  }
0x53: {  	_ =	shalt  }
0x54: {  	_ =	shalt  }
0x55: {  	_ =	shalt  }
0x56: {  	_ =	shalt  }
0x57: {  	_ =	shalt  }
0x58: {  	_ =	shalt  }
0x59: {  	_ =	shalt  }
0x5a: {  	_ =	shalt  }
0x5b: {  	_ =	shalt  }
0x5c: {  	_ =	shalt  }
0x5d: {  	_ =	shalt  }
0x5e: {  	_ =	shalt  }
0x5f: {  	_ =	shalt  }
0x60: {  	_ =	shalt  }
0x61: {  	_ =	shalt  }
0x62: {  	_ =	shalt  }
0x63: {  	_ =	shalt  }
0x64: {  	_ =	shalt  }
0x65: {  	_ =	shalt  }
0x66: {  	_ =	shalt  }
0x67: {  	_ =	shalt  }
0x68: {  	_ =	shalt  }
0x69: {  	_ =	shalt  }
0x6a: {  	_ =	shalt  }
0x6b: {  	_ =	shalt  }
0x6c: {  	_ =	shalt  }
0x6d: {  	_ =	shalt  }
0x6e: {  	_ =	shalt  }
0x6f: {  	_ =	shalt  }
0x70: {  	_ =	shalt  }
0x71: {  	_ =	shalt  }
0x72: {  	_ =	shalt  }
0x73: {  	_ =	shalt  }
0x74: {  	_ =	shalt  }
0x75: {  	_ =	shalt  }
0x76: {  	_ =	shalt  }
0x77: {  	_ =	shalt  }
0x78: {  	_ =	shalt  }
0x79: {  	_ =	shalt  }
0x7a: {  	_ =	shalt  }
0x7b: {  	_ =	shalt  }
0x7c: {  	_ =	shalt  }
0x7d: {  	_ =	shalt  }
0x7e: {  	_ =	shalt  }
0x7f: {  	_ =	shalt  }
0x80: {  	_ =	shalt  }
0x81: {  	_ =	shalt  }
0x82: {  	_ =	shalt  }
0x83: {  	_ =	shalt  }
0x84: {  	_ =	shalt  }
0x85: {  	_ =	shalt  }
0x86: {  	_ =	shalt  }
0x87: {  	_ =	shalt  }
.Lfunc_end0:
.L_simem_size_0:
called_computation.1_lowered:
.L_overlay_start_0:
0x88: {  	s2 =	sld [smem:$0x3FD9]  }
0x89: {  	s3 =	sld [smem:$0x3FFE];
	_ =	sdelay $0x1  }
0x8a: {  	s1 =	srdreg.scid  }
0x8b: {  	s0 =	sand.u32 $0x1, s1  }
0x8c: {  	s17 =	sshll.u32 s0, $0xA;
	s2 =	sadd.s32 s3, s2  }
0x8d: {  	s2 =	sadd.s32 s2, s17  }
0x8e: {  	[smem:$0x3FC6] =	sst s2  }
0x8f: {  	_ = 	snop  }
0x90: {  	s2 =	sld [smem:$0x3FD0];
	(tm) =	ssettm $0x1  }
0x91: {  	s18 =	sld [smem:$0x3FFB];
	_ =	sdelay $0x3  }
0x92: {  	_ =	strace s18  }
0x93: {  	s3 =	sld [smem:$0x3FFC];
	_ =	sdelay $0x3  }
0x94: {  	_ =	strace s3  }
0x95: {  	s3 =	sld [smem:$0x3FFD];
	_ =	sdelay $0x3  }
0x96: {  	_ =	strace s3  }
0x97: {  	_ =	strace $0x8FFFFFFF  }
0x98: {  	s19 =	sld [smem:$0x3FDB];
	_ =	sdelay $0x1  }
0x99: {  	s4 =	simm.s32 $_scs_section_size  }
0x9a: {  	s5 =	simm.s32 $_size__tile_overlayer_lowered;
	s6 =	simm.s32 $_tile_overlayer_lowered  }
0x9b: {  	s22 =	simm.s32 $0x1BFF;
	s21 =	sshll.u32 s6, $0x1;
	s3 =	sadd.s32 s4, s19  }
0x9c: {  	s7 =	simm.s32 $0x0;
	s20 =	sshll.u32 s5, $0x1;
	s5 =	sadd.s32 s21, s3  }
0x9d: {  	[timem:s7], [sflag:s22] =	dma.local [hbm:s5], s20  }
0x9e: {  	_ =	swait.ge [sflag:s22], s20  }
0x9f: {  	s4 =	ssub.s32 $0x0, s20;
	[sflag:s22] =	ssyncset.done $0x0  }
0xa0: {  	[sflag:s22] =	ssyncadd.s32 s4;
	_ =	sdelay $0x1  }
0xa1: {  	s23 =	simm.s32 $0x1B8B  }
0xa2: {  	_ =	swait.ge [sflag:s23], $0x1  }
0xa3: {  	[sflag:s23] =	ssyncset.done $0x0  }
0xa4: {  	s25 =	simm.s32 $0x1B8E;
	s24 =	sld [smem:$0x3FFE];
	[sflag:s23] =	ssyncadd.s32 $0xFFFFFFFF  }
0xa5: {  	s26 =	simm.s32 $execute0_lowered;
	[smem:$0x3FD2] =	sst s25  }
0xa6: {  	s5 =	sshll.u32 s26, $0x1;
	_ =	strace $0x80000046;
	[dreg:$0x1] =	wrdreg $0xFFFFFFFF  }
0xa7: {  	s28 =	simm.s32 $_size_execute0_lowered;
	s3 =	sadd.s32 s3, s5;
	[dreg:$0x0] =	wrdreg $0x0  }
0xa8: {  	s5 =	sshll.u32 s28, $0x1;
	[dreg:$0x2] =	wrdreg s3  }
0xa9: {  	[dreg:$0x3] =	wrdreg s5  }
0xaa: {  	[dreg:$0x4] =	wrdreg $0xC0  }
0xab: {  	_ =	task [dreg:s7], $0x5FFFF  }
0xac: {  	[dreg:$0x1] =	wrdreg $0xFFFFFFFF  }
0xad: {  	[dreg:$0x0] =	wrdreg $0x60  }
0xae: {  	[dreg:$0x2] =	wrdreg s24  }
0xaf: {  	[dreg:$0x3] =	wrdreg s2  }
0xb0: {  	[dreg:$0x4] =	wrdreg $0x1B9400  }
0xb1: {  	[dreg:$0x5] =	wrdreg $0x9  }
0xb2: {  	_ =	task.clear_ibuf [dreg:s7], $0x6FFFF;
	_ =	strace $0x90000046  }
0xb3: {  	s29 =	simm.s32 $0x9;
	_ =	strace $0x80000048  }
0xb4: {  	_ =	swait.ge [sflag:s29], $0x1  }
0xb5: {  	[sflag:s29] =	ssyncadd.s32 $0xFFFFFFFF  }
0xb6: {  	_ =	strace $0x90000048  }
0xb7: {  	_ =	sfence  }
0xb8: {  	s30 =	sld [smem:$0x0];
	_ =	sdelay $0x2  }
0xb9: {  	s31 =	sshll.u32 s1, $0xD;
	s1 =	sshrl.u32 s1, $0x2  }
0xba: {  	s3 =	sand.u32 $0x4000, s31;
	s1 =	sadd.s32 s1, s30  }
0xbb: {  	s0 =	sor.u32 s3, s0;
	s1 =	sshll.u32 s1, $0x11  }
0xbc: {  	s0 =	sor.u32 s1, s0  }
0xbd: {  	s0 =	sadd.s32 $0x8F2B, s0  }
0xbe: {  	[sflag:s0] =	ssyncadd.remote.s32 $0x1  }
0xbf: {  	_ =	sfence.sel $0xFFFF  }
0xc0: {  	[dreg:$0x0] =	wrdreg $0xFFFFFFFF;
	(pc) =	sbr.abs _section_cstart, $3  }
0xc1: {  	[dreg:$0x1] =	wrdreg $0xFFFFFFFF  }
0xc2: {  	_ =	task.clear_ibuf [dreg:s7], $0x2FFFF;
	_ =	strace $0x9FFFFFFF  }
0xc3: {  	(tm) =	ssettm $0x7FFFFFFF  }
tec
execute0_lowered:
.L_overlay_start_1:
0x0: {  	(tag) =	ssettag $0x1  }
0x1: {  	s6 =	rddreg [dreg:$0x0]  }
0x2: {  	s0 =	rddreg [dreg:$0x1];
	s1 =	srdreg.scid  }
0x3: {  	s12 =	stileid.u32;
	s2 =	rddreg [dreg:$0x2];
	s3 =	simm.s32 $0x0  }
0x4: {  	s14 =	simm.s32 $0x5140;
	s15 =	simm.s32 $0x7;
	s16 =	simm.s32 $0xA0  }
0x5: {  	s17 =	simm.s32 $0x1;
	s18 =	simm.s32 $0x40;
	s19 =	simm.s32 $0x140  }
0x6: {  	s20 =	simm.s32 $0x3;
	s21 =	simm.s32 $0x2;
	s22 =	simm.s32 $0x2940  }
0x7: {  	s23 =	simm.s32 $0x4;
	s24 =	simm.s32 $0x5;
	s25 =	simm.s32 $0x6  }
0x8: {  	s26 =	simm.s32 $0x0;
	s7 =	sand.u32 $0x1, s1;
	s4 =	sshll.u32 s12, $0x1  }
0x9: {  	[smem:$0x7FF] =	sst s3;
	s5 =	sadd.s32 $0x3600, s6;
	s4 =	sor.u32 s7, s4  }
0xa: {  	s6 =	sadd.s32 $0x800, s6;
	s8 =	ssub.s32 $0x2, s7;
	s4 =	smul.u32 $0x6400, s4  }
0xb: {  	p0 =	sne.s32 s12, $0x0;
	_ =	strace $0x80000047;
	s9 =	sshrl.u32 s8, $0x1  }
0xc: {  	s13 =	ssub.s32 s8, s9;
	s31 =	sshrl.u32 s4, $0x3;
	s9 =	sor.u32 $0x140, s4  }
0xd: {  	s10 =	sor.u32 $0xA0, s4;
	s11 =	sor.u32 $0x1E0, s4;
	s7 =	sadd.s32 s5, s31  }
0xe: {  	s12 =	smax.u32 s13, $0x1;
	s13 =	sshrl.u32 @!p0 s2, $0x3;
	s8 =	sadd.s32 $0x14, s7  }
.LBB2_1:
0xf: {  	s28 =	simm.s32 @!p0 $0x1C07  }
0x10: {  	[spmem:s13], [sflag:s28] =	dma.local @!p0 [hbm:s6], $0x2D00  }
0x11: {  	s28 =	simm.s32 @!p0 $0x7  }
0x12: {  	_ =	swait.ge @!p0 [sflag:s28], $0x2D00  }
0x13: {  	[sflag:s28] =	ssyncset.done @!p0 $0x0  }
0x14: {  	[sflag:s28] =	ssyncadd.s32 @!p0 $0xFFFFD300  }
0x15: {  	[bflag:$0x0] =	sbarrier.arrive $0xFFFF  }
0x16: {  	[tilespmem:s14], [sflag:$0x7] =	stream.linear.gather [spmem:s2], $0x16800, $0x38;
	[tilespmem:$0x1CFC0] =	vst v63  }
0x17: {  	_ =	swait.ge [sflag:s15], $0x16800  }
0x18: {  	[sflag:s15] =	ssyncset.done $0x0  }
0x19: {  	[sflag:s15] =	ssyncadd.s32 $0xFFFE9800  }
0x1a: {  	[tilespmem:s3], [sflag:$0x1] =	stream.linear.gather [hbm4b:s7+s3], $0xA0, $0x38;
	[tilespmem:$0x1CFC0] =	vst v63  }
0x1b: {  	s28 =	simm.s32 $0x0  }
0x1c: {  	[tilespmem:s16], [sflag:$0x2] =	stream.linear.gather [hbm4b:s8+s3], $0xA0, $0x38;
	[tilespmem:$0x1CFC0] =	vst v63  }
.LBB2_2:
0x1d: {  	p2 =	seq.s32 s28, $0x0  }
0x1e: {  	s29 =	simm.s32 @!p2 $0x5  }
0x1f: {  	_ =	swait.ge @!p2 [sflag:s29], $0x2800  }
0x20: {  	[sflag:s29] =	ssyncset.done @!p2 $0x0  }
0x21: {  	[sflag:s29] =	ssyncadd.s32 @!p2 $0xFFFFD800  }
0x22: {  	_ =	swait.ge [sflag:s17], $0xA0  }
0x23: {  	[sflag:s17] =	ssyncset.done $0x0  }
0x24: {  	s30 =	simm.s32 $0x1530;
	s29 =	simm.s32 $0x0;
	[sflag:s17] =	ssyncadd.s32 $0xFFFFFF60  }
0x25: {  	[tilespmem:s19], [sflag:$0x3] =	stream.indirect.gather [spmem:s2], $0x40, s29, s18, $0xb8;
	[tilespmem:$0x1CFC0] =	vst v63  }
.LBB2_3:
0x26: {  	s31 =	sshra.s32 s29, $0x2  }
0x27: {  	v0 =	vld [tilespmem:s31+$0x40];
	_ =	sdelay $0x4  }
0x28: {  	v0 =	vshll.u32 v0, $0x8  }
0x29: {  	v0 =	vshra.s32 v0, $0x2  }
0x2a: {  	(v2sf) =	vpush v0, $0x0;
	_ =	sdelay $0x3  }
0x2b: {  	(v2sf) =	vpush v0, $0x1;
	_ =	sdelay $0x3  }
0x2c: {  	(v2sf) =	vpush v0, $0x2;
	_ =	sdelay $0x3  }
0x2d: {  	(v2sf) =	vpush v0, $0x3;
	_ =	sdelay $0x2  }
0x2e: {  	s1 =	spop (v2sf)  }
0x2f: {  	v1 =	vld [tilespmem:s1+$0x5140]  }
0x30: {  	v2 =	vld [tilespmem:s1+$0x5150]  }
0x31: {  	v3 =	vld [tilespmem:s1+$0x5160]  }
0x32: {  	v4 =	vld [tilespmem:s1+$0x5170];
	s1 =	spop (v2sf)  }
0x33: {  	v5 =	vld [tilespmem:s1+$0x5140]  }
0x34: {  	v6 =	vld [tilespmem:s1+$0x5150]  }
0x35: {  	v7 =	vld [tilespmem:s1+$0x5160]  }
0x36: {  	v8 =	vld [tilespmem:s1+$0x5170];
	s1 =	spop (v2sf)  }
0x37: {  	v9 =	vld [tilespmem:s1+$0x5140]  }
0x38: {  	v10 =	vld [tilespmem:s1+$0x5150]  }
0x39: {  	v11 =	vld [tilespmem:s1+$0x5160]  }
0x3a: {  	v12 =	vld [tilespmem:s1+$0x5170];
	s1 =	spop (v2sf)  }
0x3b: {  	v13 =	vld [tilespmem:s1+$0x5140]  }
0x3c: {  	v14 =	vld [tilespmem:s1+$0x5150]  }
0x3d: {  	v15 =	vld [tilespmem:s1+$0x5160]  }
0x3e: {  	(v2sf) =	vpush v0, $0x4;
	v16 =	vld [tilespmem:s1+$0x5170];
	[tilespmem:s30+$0xFFFFFC10] =	vst v1  }
0x3f: {  	[tilespmem:s30+$0xFFFFFC20] =	vst v2  }
0x40: {  	[tilespmem:s30+$0xFFFFFC30] =	vst v3  }
0x41: {  	[tilespmem:s30+$0xFFFFFC40] =	vst v4  }
0x42: {  	(v2sf) =	vpush v0, $0x5;
	[tilespmem:s30+$0xFFFFFC50] =	vst v5  }
0x43: {  	[tilespmem:s30+$0xFFFFFC60] =	vst v6  }
0x44: {  	[tilespmem:s30+$0xFFFFFC70] =	vst v7  }
0x45: {  	[tilespmem:s30+$0xFFFFFC80] =	vst v8  }
0x46: {  	(v2sf) =	vpush v0, $0x6;
	[tilespmem:s30+$0xFFFFFC90] =	vst v9  }
0x47: {  	[tilespmem:s30+$0xFFFFFCA0] =	vst v10  }
0x48: {  	[tilespmem:s30+$0xFFFFFCB0] =	vst v11  }
0x49: {  	[tilespmem:s30+$0xFFFFFCC0] =	vst v12  }
0x4a: {  	(v2sf) =	vpush v0, $0x7;
	[tilespmem:s30+$0xFFFFFCD0] =	vst v13  }
0x4b: {  	[tilespmem:s30+$0xFFFFFCE0] =	vst v14  }
0x4c: {  	[tilespmem:s30+$0xFFFFFCF0] =	vst v15  }
0x4d: {  	[tilespmem:s30+$0xFFFFFD00] =	vst v16;
	s1 =	spop (v2sf)  }
0x4e: {  	v1 =	vld [tilespmem:s1+$0x5140]  }
0x4f: {  	v2 =	vld [tilespmem:s1+$0x5150]  }
0x50: {  	v3 =	vld [tilespmem:s1+$0x5160]  }
0x51: {  	v4 =	vld [tilespmem:s1+$0x5170];
	s1 =	spop (v2sf)  }
0x52: {  	v5 =	vld [tilespmem:s1+$0x5140]  }
0x53: {  	v6 =	vld [tilespmem:s1+$0x5150]  }
0x54: {  	v7 =	vld [tilespmem:s1+$0x5160]  }
0x55: {  	v8 =	vld [tilespmem:s1+$0x5170];
	s1 =	spop (v2sf)  }
0x56: {  	v9 =	vld [tilespmem:s1+$0x5140]  }
0x57: {  	v10 =	vld [tilespmem:s1+$0x5150]  }
0x58: {  	v11 =	vld [tilespmem:s1+$0x5160]  }
0x59: {  	v12 =	vld [tilespmem:s1+$0x5170];
	s1 =	spop (v2sf)  }
0x5a: {  	v13 =	vld [tilespmem:s1+$0x5140]  }
0x5b: {  	v14 =	vld [tilespmem:s1+$0x5150]  }
0x5c: {  	v15 =	vld [tilespmem:s1+$0x5160]  }
0x5d: {  	(v2sf) =	vpush v0, $0x8;
	v16 =	vld [tilespmem:s1+$0x5170];
	[tilespmem:s30+$0xFFFFFD10] =	vst v1  }
0x5e: {  	[tilespmem:s30+$0xFFFFFD20] =	vst v2  }
0x5f: {  	[tilespmem:s30+$0xFFFFFD30] =	vst v3  }
0x60: {  	[tilespmem:s30+$0xFFFFFD40] =	vst v4  }
0x61: {  	(v2sf) =	vpush v0, $0x9;
	[tilespmem:s30+$0xFFFFFD50] =	vst v5  }
0x62: {  	[tilespmem:s30+$0xFFFFFD60] =	vst v6  }
0x63: {  	[tilespmem:s30+$0xFFFFFD70] =	vst v7  }
0x64: {  	[tilespmem:s30+$0xFFFFFD80] =	vst v8  }
0x65: {  	(v2sf) =	vpush v0, $0xA;
	[tilespmem:s30+$0xFFFFFD90] =	vst v9  }
0x66: {  	[tilespmem:s30+$0xFFFFFDA0] =	vst v10  }
0x67: {  	[tilespmem:s30+$0xFFFFFDB0] =	vst v11  }
0x68: {  	[tilespmem:s30+$0xFFFFFDC0] =	vst v12  }
0x69: {  	(v2sf) =	vpush v0, $0xB;
	[tilespmem:s30+$0xFFFFFDD0] =	vst v13  }
0x6a: {  	[tilespmem:s30+$0xFFFFFDE0] =	vst v14  }
0x6b: {  	[tilespmem:s30+$0xFFFFFDF0] =	vst v15  }
0x6c: {  	[tilespmem:s30+$0xFFFFFE00] =	vst v16;
	s1 =	spop (v2sf)  }
0x6d: {  	v1 =	vld [tilespmem:s1+$0x5140]  }
0x6e: {  	v2 =	vld [tilespmem:s1+$0x5150]  }
0x6f: {  	v3 =	vld [tilespmem:s1+$0x5160]  }
0x70: {  	v4 =	vld [tilespmem:s1+$0x5170];
	s1 =	spop (v2sf)  }
0x71: {  	v5 =	vld [tilespmem:s1+$0x5140]  }
0x72: {  	v6 =	vld [tilespmem:s1+$0x5150]  }
0x73: {  	v7 =	vld [tilespmem:s1+$0x5160]  }
0x74: {  	v8 =	vld [tilespmem:s1+$0x5170];
	s1 =	spop (v2sf)  }
0x75: {  	v9 =	vld [tilespmem:s1+$0x5140]  }
0x76: {  	v10 =	vld [tilespmem:s1+$0x5150]  }
0x77: {  	v11 =	vld [tilespmem:s1+$0x5160]  }
0x78: {  	v12 =	vld [tilespmem:s1+$0x5170];
	s1 =	spop (v2sf)  }
0x79: {  	v13 =	vld [tilespmem:s1+$0x5140]  }
0x7a: {  	v14 =	vld [tilespmem:s1+$0x5150]  }
0x7b: {  	v15 =	vld [tilespmem:s1+$0x5160]  }
0x7c: {  	(v2sf) =	vpush v0, $0xC;
	v16 =	vld [tilespmem:s1+$0x5170];
	[tilespmem:s30+$0xFFFFFE10] =	vst v1  }
0x7d: {  	[tilespmem:s30+$0xFFFFFE20] =	vst v2  }
0x7e: {  	[tilespmem:s30+$0xFFFFFE30] =	vst v3  }
0x7f: {  	[tilespmem:s30+$0xFFFFFE40] =	vst v4  }
0x80: {  	(v2sf) =	vpush v0, $0xD;
	[tilespmem:s30+$0xFFFFFE50] =	vst v5  }
0x81: {  	[tilespmem:s30+$0xFFFFFE60] =	vst v6  }
0x82: {  	[tilespmem:s30+$0xFFFFFE70] =	vst v7  }
0x83: {  	[tilespmem:s30+$0xFFFFFE80] =	vst v8  }
0x84: {  	(v2sf) =	vpush v0, $0xE;
	[tilespmem:s30+$0xFFFFFE90] =	vst v9  }
0x85: {  	[tilespmem:s30+$0xFFFFFEA0] =	vst v10  }
0x86: {  	[tilespmem:s30+$0xFFFFFEB0] =	vst v11  }
0x87: {  	[tilespmem:s30+$0xFFFFFEC0] =	vst v12  }
0x88: {  	(v2sf) =	vpush v0, $0xF;
	[tilespmem:s30+$0xFFFFFED0] =	vst v13  }
0x89: {  	[tilespmem:s30+$0xFFFFFEE0] =	vst v14  }
0x8a: {  	[tilespmem:s30+$0xFFFFFEF0] =	vst v15  }
0x8b: {  	[tilespmem:s30+$0xFFFFFF00] =	vst v16;
	s1 =	spop (v2sf)  }
0x8c: {  	v63 =	vld [tilespmem:s1+$0x5140]  }
0x8d: {  	v1 =	vld [tilespmem:s1+$0x5150]  }
0x8e: {  	v2 =	vld [tilespmem:s1+$0x5160]  }
0x8f: {  	v3 =	vld [tilespmem:s1+$0x5170];
	s1 =	spop (v2sf)  }
0x90: {  	v4 =	vld [tilespmem:s1+$0x5140]  }
0x91: {  	v5 =	vld [tilespmem:s1+$0x5150]  }
0x92: {  	v6 =	vld [tilespmem:s1+$0x5160]  }
0x93: {  	v7 =	vld [tilespmem:s1+$0x5170];
	s1 =	spop (v2sf)  }
0x94: {  	v8 =	vld [tilespmem:s1+$0x5140]  }
0x95: {  	v9 =	vld [tilespmem:s1+$0x5150]  }
0x96: {  	v10 =	vld [tilespmem:s1+$0x5160]  }
0x97: {  	v11 =	vld [tilespmem:s1+$0x5170];
	s1 =	spop (v2sf)  }
0x98: {  	v12 =	vld [tilespmem:s1+$0x5140]  }
0x99: {  	v13 =	vld [tilespmem:s1+$0x5150]  }
0x9a: {  	v14 =	vld [tilespmem:s1+$0x5160]  }
0x9b: {  	v15 =	vld [tilespmem:s1+$0x5170];
	[tilespmem:s30+$0xFFFFFF10] =	vst v63  }
0x9c: {  	[tilespmem:s30+$0xFFFFFF20] =	vst v1  }
0x9d: {  	[tilespmem:s30+$0xFFFFFF30] =	vst v2  }
0x9e: {  	[tilespmem:s30+$0xFFFFFF40] =	vst v3  }
0x9f: {  	[tilespmem:s30+$0xFFFFFF50] =	vst v4  }
0xa0: {  	[tilespmem:s30+$0xFFFFFF60] =	vst v5  }
0xa1: {  	[tilespmem:s30+$0xFFFFFF70] =	vst v6  }
0xa2: {  	[tilespmem:s30+$0xFFFFFF80] =	vst v7  }
0xa3: {  	[tilespmem:s30+$0xFFFFFF90] =	vst v8  }
0xa4: {  	[tilespmem:s30+$0xFFFFFFA0] =	vst v9  }
0xa5: {  	p1 =	sne.s32 s29, $0x140;
	[tilespmem:s30+$0xFFFFFFB0] =	vst v10  }
.Ltmp0:
0xa6: {  	[tilespmem:s30+$0xFFFFFFC0] =	vst v11;
	(pc) =	sbr.rel @p1 .LBB2_3-.Ltmp0, $4  }
0xa7: {  	[tilespmem:s30+$0xFFFFFFD0] =	vst v12  }
0xa8: {  	[tilespmem:s30+$0xFFFFFFE0] =	vst v13  }
0xa9: {  	[tilespmem:s30+$0xFFFFFFF0] =	vst v14  }
0xaa: {  	s29 =	sadd.s32 $0x40, s29;
	[tilespmem:s30+$0x0] =	vst v15;
	s30 =	sadd.s32 $0x400, s30  }
0xab: {  	s29 =	smul.u32 $0x140, s28  }
0xac: {  	p1 =	seq.s32 s28, $0x4F  }
0xad: {  	_ =	swait.ge [sflag:s20], $0x1000;
	s30 =	sadd.s32 @!p1 s29, s9  }
0xae: {  	[sflag:s20] =	ssyncset.done $0x0;
	s1 =	simm.s32 @!p1 $0x0;
	s30 =	sshrl.u32 @!p1 s30, $0x3  }
0xaf: {  	s31 =	sadd.s32 s4, s29;
	[sflag:s20] =	ssyncadd.s32 $0xFFFFF000;
	s30 =	sadd.s32 @!p1 s5, s30  }
0xb0: {  	[tilespmem:s1], [sflag:$0x1] =	stream.linear.gather @!p1 [hbm4b:s30+s1], $0xA0, $0x38;
	[tilespmem:$0x1CFC0] =	vst v63  }
0xb1: {  	s1 =	sshll.u32 s31, $0x3  }
0xb2: {  	s1 =	sadd.s32 s0, s1  }
0xb3: {  	[hbm4b:s1+s3] =	stream.linear.scatter [tilespmem:s19], [sflag:$0x5], $0x2800, $0x38;
	[tilespmem:$0x1CFC0] =	vst v63  }
0xb4: {  	s1 =	simm.s32 @!p2 $0x6  }
0xb5: {  	_ =	swait.ge @!p2 [sflag:s1], $0x2800  }
0xb6: {  	[sflag:s1] =	ssyncset.done @!p2 $0x0  }
0xb7: {  	[sflag:s1] =	ssyncadd.s32 @!p2 $0xFFFFD800  }
0xb8: {  	_ =	swait.ge [sflag:s21], $0xA0  }
0xb9: {  	[sflag:s21] =	ssyncset.done $0x0  }
0xba: {  	s30 =	simm.s32 $0x0;
	s31 =	simm.s32 $0x3D30;
	[sflag:s21] =	ssyncadd.s32 $0xFFFFFF60  }
0xbb: {  	[tilespmem:s22], [sflag:$0x4] =	stream.indirect.gather [spmem:s2], $0x40, s16, s18, $0xb8;
	[tilespmem:$0x1CFC0] =	vst v63  }
.LBB2_5:
0xbc: {  	s1 =	sshra.s32 s30, $0x2  }
0xbd: {  	v0 =	vld [tilespmem:s1+$0xE0];
	_ =	sdelay $0x4  }
0xbe: {  	v0 =	vshll.u32 v0, $0x8  }
0xbf: {  	v0 =	vshra.s32 v0, $0x2  }
0xc0: {  	(v2sf) =	vpush v0, $0x0;
	_ =	sdelay $0x3  }
0xc1: {  	(v2sf) =	vpush v0, $0x1;
	_ =	sdelay $0x3  }
0xc2: {  	(v2sf) =	vpush v0, $0x2;
	_ =	sdelay $0x3  }
0xc3: {  	(v2sf) =	vpush v0, $0x3;
	_ =	sdelay $0x2  }
0xc4: {  	s1 =	spop (v2sf)  }
0xc5: {  	v1 =	vld [tilespmem:s1+$0x5140]  }
0xc6: {  	v2 =	vld [tilespmem:s1+$0x5150]  }
0xc7: {  	v3 =	vld [tilespmem:s1+$0x5160]  }
0xc8: {  	v4 =	vld [tilespmem:s1+$0x5170];
	s1 =	spop (v2sf)  }
0xc9: {  	v5 =	vld [tilespmem:s1+$0x5140]  }
0xca: {  	v6 =	vld [tilespmem:s1+$0x5150]  }
0xcb: {  	v7 =	vld [tilespmem:s1+$0x5160]  }
0xcc: {  	v8 =	vld [tilespmem:s1+$0x5170];
	s1 =	spop (v2sf)  }
0xcd: {  	v9 =	vld [tilespmem:s1+$0x5140]  }
0xce: {  	v10 =	vld [tilespmem:s1+$0x5150]  }
0xcf: {  	v11 =	vld [tilespmem:s1+$0x5160]  }
0xd0: {  	v12 =	vld [tilespmem:s1+$0x5170];
	s1 =	spop (v2sf)  }
0xd1: {  	v13 =	vld [tilespmem:s1+$0x5140]  }
0xd2: {  	v14 =	vld [tilespmem:s1+$0x5150]  }
0xd3: {  	v15 =	vld [tilespmem:s1+$0x5160]  }
0xd4: {  	(v2sf) =	vpush v0, $0x4;
	v16 =	vld [tilespmem:s1+$0x5170];
	[tilespmem:s31+$0xFFFFFC10] =	vst v1  }
0xd5: {  	[tilespmem:s31+$0xFFFFFC20] =	vst v2  }
0xd6: {  	[tilespmem:s31+$0xFFFFFC30] =	vst v3  }
0xd7: {  	[tilespmem:s31+$0xFFFFFC40] =	vst v4  }
0xd8: {  	(v2sf) =	vpush v0, $0x5;
	[tilespmem:s31+$0xFFFFFC50] =	vst v5  }
0xd9: {  	[tilespmem:s31+$0xFFFFFC60] =	vst v6  }
0xda: {  	[tilespmem:s31+$0xFFFFFC70] =	vst v7  }
0xdb: {  	[tilespmem:s31+$0xFFFFFC80] =	vst v8  }
0xdc: {  	(v2sf) =	vpush v0, $0x6;
	[tilespmem:s31+$0xFFFFFC90] =	vst v9  }
0xdd: {  	[tilespmem:s31+$0xFFFFFCA0] =	vst v10  }
0xde: {  	[tilespmem:s31+$0xFFFFFCB0] =	vst v11  }
0xdf: {  	[tilespmem:s31+$0xFFFFFCC0] =	vst v12  }
0xe0: {  	(v2sf) =	vpush v0, $0x7;
	[tilespmem:s31+$0xFFFFFCD0] =	vst v13  }
0xe1: {  	[tilespmem:s31+$0xFFFFFCE0] =	vst v14  }
0xe2: {  	[tilespmem:s31+$0xFFFFFCF0] =	vst v15  }
0xe3: {  	[tilespmem:s31+$0xFFFFFD00] =	vst v16;
	s1 =	spop (v2sf)  }
0xe4: {  	v1 =	vld [tilespmem:s1+$0x5140]  }
0xe5: {  	v2 =	vld [tilespmem:s1+$0x5150]  }
0xe6: {  	v3 =	vld [tilespmem:s1+$0x5160]  }
0xe7: {  	v4 =	vld [tilespmem:s1+$0x5170];
	s1 =	spop (v2sf)  }
0xe8: {  	v5 =	vld [tilespmem:s1+$0x5140]  }
0xe9: {  	v6 =	vld [tilespmem:s1+$0x5150]  }
0xea: {  	v7 =	vld [tilespmem:s1+$0x5160]  }
0xeb: {  	v8 =	vld [tilespmem:s1+$0x5170];
	s1 =	spop (v2sf)  }
0xec: {  	v9 =	vld [tilespmem:s1+$0x5140]  }
0xed: {  	v10 =	vld [tilespmem:s1+$0x5150]  }
0xee: {  	v11 =	vld [tilespmem:s1+$0x5160]  }
0xef: {  	v12 =	vld [tilespmem:s1+$0x5170];
	s1 =	spop (v2sf)  }
0xf0: {  	v13 =	vld [tilespmem:s1+$0x5140]  }
0xf1: {  	v14 =	vld [tilespmem:s1+$0x5150]  }
0xf2: {  	v15 =	vld [tilespmem:s1+$0x5160]  }
0xf3: {  	(v2sf) =	vpush v0, $0x8;
	v16 =	vld [tilespmem:s1+$0x5170];
	[tilespmem:s31+$0xFFFFFD10] =	vst v1  }
0xf4: {  	[tilespmem:s31+$0xFFFFFD20] =	vst v2  }
0xf5: {  	[tilespmem:s31+$0xFFFFFD30] =	vst v3  }
0xf6: {  	[tilespmem:s31+$0xFFFFFD40] =	vst v4  }
0xf7: {  	(v2sf) =	vpush v0, $0x9;
	[tilespmem:s31+$0xFFFFFD50] =	vst v5  }
0xf8: {  	[tilespmem:s31+$0xFFFFFD60] =	vst v6  }
0xf9: {  	[tilespmem:s31+$0xFFFFFD70] =	vst v7  }
0xfa: {  	[tilespmem:s31+$0xFFFFFD80] =	vst v8  }
0xfb: {  	(v2sf) =	vpush v0, $0xA;
	[tilespmem:s31+$0xFFFFFD90] =	vst v9  }
0xfc: {  	[tilespmem:s31+$0xFFFFFDA0] =	vst v10  }
0xfd: {  	[tilespmem:s31+$0xFFFFFDB0] =	vst v11  }
0xfe: {  	[tilespmem:s31+$0xFFFFFDC0] =	vst v12  }
0xff: {  	(v2sf) =	vpush v0, $0xB;
	[tilespmem:s31+$0xFFFFFDD0] =	vst v13  }
0x100: {  	[tilespmem:s31+$0xFFFFFDE0] =	vst v14  }
0x101: {  	[tilespmem:s31+$0xFFFFFDF0] =	vst v15  }
0x102: {  	[tilespmem:s31+$0xFFFFFE00] =	vst v16;
	s1 =	spop (v2sf)  }
0x103: {  	v1 =	vld [tilespmem:s1+$0x5140]  }
0x104: {  	v2 =	vld [tilespmem:s1+$0x5150]  }
0x105: {  	v3 =	vld [tilespmem:s1+$0x5160]  }
0x106: {  	v4 =	vld [tilespmem:s1+$0x5170];
	s1 =	spop (v2sf)  }
0x107: {  	v5 =	vld [tilespmem:s1+$0x5140]  }
0x108: {  	v6 =	vld [tilespmem:s1+$0x5150]  }
0x109: {  	v7 =	vld [tilespmem:s1+$0x5160]  }
0x10a: {  	v8 =	vld [tilespmem:s1+$0x5170];
	s1 =	spop (v2sf)  }
0x10b: {  	v9 =	vld [tilespmem:s1+$0x5140]  }
0x10c: {  	v10 =	vld [tilespmem:s1+$0x5150]  }
0x10d: {  	v11 =	vld [tilespmem:s1+$0x5160]  }
0x10e: {  	v12 =	vld [tilespmem:s1+$0x5170];
	s1 =	spop (v2sf)  }
0x10f: {  	v13 =	vld [tilespmem:s1+$0x5140]  }
0x110: {  	v14 =	vld [tilespmem:s1+$0x5150]  }
0x111: {  	v15 =	vld [tilespmem:s1+$0x5160]  }
0x112: {  	(v2sf) =	vpush v0, $0xC;
	v16 =	vld [tilespmem:s1+$0x5170];
	[tilespmem:s31+$0xFFFFFE10] =	vst v1  }
0x113: {  	[tilespmem:s31+$0xFFFFFE20] =	vst v2  }
0x114: {  	[tilespmem:s31+$0xFFFFFE30] =	vst v3  }
0x115: {  	[tilespmem:s31+$0xFFFFFE40] =	vst v4  }
0x116: {  	(v2sf) =	vpush v0, $0xD;
	[tilespmem:s31+$0xFFFFFE50] =	vst v5  }
0x117: {  	[tilespmem:s31+$0xFFFFFE60] =	vst v6  }
0x118: {  	[tilespmem:s31+$0xFFFFFE70] =	vst v7  }
0x119: {  	[tilespmem:s31+$0xFFFFFE80] =	vst v8  }
0x11a: {  	(v2sf) =	vpush v0, $0xE;
	[tilespmem:s31+$0xFFFFFE90] =	vst v9  }
0x11b: {  	[tilespmem:s31+$0xFFFFFEA0] =	vst v10  }
0x11c: {  	[tilespmem:s31+$0xFFFFFEB0] =	vst v11  }
0x11d: {  	[tilespmem:s31+$0xFFFFFEC0] =	vst v12  }
0x11e: {  	(v2sf) =	vpush v0, $0xF;
	[tilespmem:s31+$0xFFFFFED0] =	vst v13  }
0x11f: {  	[tilespmem:s31+$0xFFFFFEE0] =	vst v14  }
0x120: {  	[tilespmem:s31+$0xFFFFFEF0] =	vst v15  }
0x121: {  	[tilespmem:s31+$0xFFFFFF00] =	vst v16;
	s1 =	spop (v2sf)  }
0x122: {  	v63 =	vld [tilespmem:s1+$0x5140]  }
0x123: {  	v1 =	vld [tilespmem:s1+$0x5150]  }
0x124: {  	v2 =	vld [tilespmem:s1+$0x5160]  }
0x125: {  	v3 =	vld [tilespmem:s1+$0x5170];
	s1 =	spop (v2sf)  }
0x126: {  	v4 =	vld [tilespmem:s1+$0x5140]  }
0x127: {  	v5 =	vld [tilespmem:s1+$0x5150]  }
0x128: {  	v6 =	vld [tilespmem:s1+$0x5160]  }
0x129: {  	v7 =	vld [tilespmem:s1+$0x5170];
	s1 =	spop (v2sf)  }
0x12a: {  	v8 =	vld [tilespmem:s1+$0x5140]  }
0x12b: {  	v9 =	vld [tilespmem:s1+$0x5150]  }
0x12c: {  	v10 =	vld [tilespmem:s1+$0x5160]  }
0x12d: {  	v11 =	vld [tilespmem:s1+$0x5170];
	s1 =	spop (v2sf)  }
0x12e: {  	v12 =	vld [tilespmem:s1+$0x5140]  }
0x12f: {  	v13 =	vld [tilespmem:s1+$0x5150]  }
0x130: {  	v14 =	vld [tilespmem:s1+$0x5160]  }
0x131: {  	v15 =	vld [tilespmem:s1+$0x5170];
	[tilespmem:s31+$0xFFFFFF10] =	vst v63  }
0x132: {  	[tilespmem:s31+$0xFFFFFF20] =	vst v1  }
0x133: {  	[tilespmem:s31+$0xFFFFFF30] =	vst v2  }
0x134: {  	[tilespmem:s31+$0xFFFFFF40] =	vst v3  }
0x135: {  	[tilespmem:s31+$0xFFFFFF50] =	vst v4  }
0x136: {  	[tilespmem:s31+$0xFFFFFF60] =	vst v5  }
0x137: {  	[tilespmem:s31+$0xFFFFFF70] =	vst v6  }
0x138: {  	[tilespmem:s31+$0xFFFFFF80] =	vst v7  }
0x139: {  	[tilespmem:s31+$0xFFFFFF90] =	vst v8  }
0x13a: {  	[tilespmem:s31+$0xFFFFFFA0] =	vst v9  }
0x13b: {  	p2 =	sne.s32 s30, $0x140;
	[tilespmem:s31+$0xFFFFFFB0] =	vst v10  }
.Ltmp1:
0x13c: {  	[tilespmem:s31+$0xFFFFFFC0] =	vst v11;
	(pc) =	sbr.rel @p2 .LBB2_5-.Ltmp1, $4  }
0x13d: {  	[tilespmem:s31+$0xFFFFFFD0] =	vst v12  }
0x13e: {  	[tilespmem:s31+$0xFFFFFFE0] =	vst v13  }
0x13f: {  	[tilespmem:s31+$0xFFFFFFF0] =	vst v14  }
0x140: {  	s30 =	sadd.s32 $0x40, s30;
	[tilespmem:s31+$0x0] =	vst v15;
	s31 =	sadd.s32 $0x400, s31  }
0x141: {  	_ =	swait.ge [sflag:s23], $0x1000;
	s1 =	sadd.s32 @!p1 s29, s11;
	s30 =	simm.s32 @!p1 $0x0  }
0x142: {  	s31 =	simm.s32 @!p1 $0xA0;
	[sflag:s23] =	ssyncset.done $0x0;
	s1 =	sshrl.u32 @!p1 s1, $0x3  }
0x143: {  	s28 =	sadd.s32 $0x1, s28;
	[sflag:s23] =	ssyncadd.s32 $0xFFFFF000;
	s1 =	sadd.s32 @!p1 s5, s1  }
0x144: {  	[tilespmem:s31], [sflag:$0x2] =	stream.linear.gather @!p1 [hbm4b:s1+s30], $0xA0, $0x38;
	[tilespmem:$0x1CFC0] =	vst v63  }
0x145: {  	p1 =	sne.s32 s28, $0x50  }
.Ltmp2:
0x146: {  	s29 =	sadd.s32 s29, s10;
	(pc) =	sbr.rel @p1 .LBB2_2-.Ltmp2, $4  }
0x147: {  	s31 =	sshll.u32 s29, $0x3  }
0x148: {  	s1 =	sand.u32 $0x1FFFFF00, s31  }
0x149: {  	s1 =	sadd.s32 s0, s1  }
0x14a: {  	[hbm4b:s1+s3] =	stream.linear.scatter [tilespmem:s22], [sflag:$0x6], $0x2800, $0x38;
	[tilespmem:$0x1CFC0] =	vst v63  }
0x14b: {  	s26 =	sadd.s32 $0x1, s26  }
0x14c: {  	_ =	swait.ge [sflag:s24], $0x2800;
	p1 =	sne.s32 s26, s12  }
.Ltmp3:
0x14d: {  	[sflag:s24] =	ssyncset.done $0x0;
	(pc) =	sbr.rel @p1 .LBB2_1-.Ltmp3, $4  }
0x14e: {  	[sflag:s24] =	ssyncadd.s32 $0xFFFFD800  }
0x14f: {  	_ =	swait.ge [sflag:s25], $0x2800  }
0x150: {  	[sflag:s25] =	ssyncset.done $0x0  }
0x151: {  	[sflag:s25] =	ssyncadd.s32 $0xFFFFD800  }
0x152: {  	_ =	sfence.sel $0x180000  }
0x153: {  	[bflag:$0x0] =	sbarrier.arrive $0xFFFF  }
0x154: {  	_ =	strace $0x90000047  }
0x155: {  	[bflag:$0x2] =	sbarrier.arrive $0xFFFF  }
0x156: {  	s0 =	rddreg [dreg:$0x3]  }
0x157: {  	s0 =	sadd.s32 @!p0 $0x100000, s0  }
0x158: {  	[sflag:s0] =	ssyncadd.tile.s32 @!p0 $0x1;
	_ =	shalt  }
.Lfunc_end2:
_tile_overlayer_lowered:
.L_overlay_start_2:
0x159: {  	(tag) =	ssettag $0x2  }
0x15a: {  	s0 =	rddreg [dreg:$0x0];
	s2 =	stileid.u32  }
0x15b: {  	s1 =	rddreg [dreg:$0x1];
	p0 =	sne.s32 s2, $0x0  }
0x15c: {  	s3 =	rddreg [dreg:$0x2];
	[bflag:$0x3] =	sbarrier.arrive $0xFFFF;
	s2 =	simm.s32 @!p0 $0x1C07  }
0x15d: {  	[timem:s3], [sflag:s2] =	dma.local @!p0 [hbm:s0], s1  }
0x15e: {  	s0 =	simm.s32 @!p0 $0x7  }
0x15f: {  	_ =	swait.ge @!p0 [sflag:s0], s1  }
0x160: {  	s1 =	ssub.s32 @!p0 $0x0, s1;
	[sflag:s0] =	ssyncset.done @!p0 $0x0  }
0x161: {  	[sflag:s0] =	ssyncadd.s32 @!p0 s1  }
0x162: {  	[bflag:$0x3] =	sbarrier.arrive $0xFFFF  }
0x163: {  	_ =	shalt  }

// kernel: sparse-core-data-format-call.cloned.1.call-start
scs
called_computation_lowered:
.L_overlay_start_0:
0x0: {  	s2 =	sld [smem:$0x3FD9]  }
0x1: {  	s3 =	sld [smem:$0x3FFE];
	_ =	sdelay $0x1  }
0x2: {  	s1 =	srdreg.scid  }
0x3: {  	s0 =	sand.u32 $0x1, s1  }
0x4: {  	s18 =	sshll.u32 s0, $0xA;
	s2 =	sadd.s32 s3, s2  }
0x5: {  	s2 =	sadd.s32 s2, s18  }
0x6: {  	[smem:$0x3FC6] =	sst s2  }
0x7: {  	_ = 	snop  }
0x8: {  	s2 =	sld [smem:$0x3FD0];
	(tm) =	ssettm $0x1  }
0x9: {  	s19 =	sld [smem:$0x3FFB];
	_ =	sdelay $0x3  }
0xa: {  	_ =	strace s19  }
0xb: {  	s3 =	sld [smem:$0x3FFC];
	_ =	sdelay $0x3  }
0xc: {  	_ =	strace s3  }
0xd: {  	s3 =	sld [smem:$0x3FFD];
	_ =	sdelay $0x3  }
0xe: {  	_ =	strace s3  }
0xf: {  	_ =	strace $0x8FFFFFFF  }
0x10: {  	s20 =	sld [smem:$0x3FDB];
	_ =	sdelay $0x1  }
0x11: {  	s4 =	simm.s32 $_scs_section_size  }
0x12: {  	s5 =	simm.s32 $_size__tile_overlayer_lowered;
	s6 =	simm.s32 $_tile_overlayer_lowered  }
0x13: {  	s23 =	simm.s32 $0x1BFF;
	s22 =	sshll.u32 s6, $0x1;
	s3 =	sadd.s32 s4, s20  }
0x14: {  	s7 =	simm.s32 $0x0;
	s21 =	sshll.u32 s5, $0x1;
	s5 =	sadd.s32 s22, s3  }
0x15: {  	[timem:s7], [sflag:s23] =	dma.local [hbm:s5], s21  }
0x16: {  	_ =	swait.ge [sflag:s23], s21  }
0x17: {  	s4 =	ssub.s32 $0x0, s21;
	[sflag:s23] =	ssyncset.done $0x0  }
0x18: {  	[sflag:s23] =	ssyncadd.s32 s4;
	_ =	sdelay $0x1  }
0x19: {  	s24 =	simm.s32 $0x1B8B  }
0x1a: {  	_ =	swait.ge [sflag:s24], $0x1  }
0x1b: {  	[sflag:s24] =	ssyncset.done $0x0  }
0x1c: {  	s26 =	simm.s32 $0x1B8E;
	s25 =	sld [smem:$0x3FFE];
	[sflag:s24] =	ssyncadd.s32 $0xFFFFFFFF  }
0x1d: {  	s27 =	simm.s32 $execute0_lowered;
	[smem:$0x3FD2] =	sst s26  }
0x1e: {  	s5 =	sshll.u32 s27, $0x1;
	_ =	strace $0x80000049;
	[dreg:$0x1] =	wrdreg $0xFFFFFFFF  }
0x1f: {  	s28 =	simm.s32 $_size_execute0_lowered;
	s3 =	sadd.s32 s3, s5;
	[dreg:$0x0] =	wrdreg $0x0  }
0x20: {  	s5 =	sshll.u32 s28, $0x1;
	[dreg:$0x2] =	wrdreg s3  }
0x21: {  	[dreg:$0x3] =	wrdreg s5  }
0x22: {  	[dreg:$0x4] =	wrdreg $0xC0  }
0x23: {  	_ =	task [dreg:s7], $0x5FFFF  }
0x24: {  	[dreg:$0x1] =	wrdreg $0xFFFFFFFF  }
0x25: {  	[dreg:$0x0] =	wrdreg $0x60  }
0x26: {  	[dreg:$0x2] =	wrdreg s25  }
0x27: {  	[dreg:$0x3] =	wrdreg s2  }
0x28: {  	[dreg:$0x4] =	wrdreg $0x9  }
0x29: {  	_ =	task.clear_ibuf [dreg:s7], $0x5FFFF;
	_ =	strace $0x90000049  }
0x2a: {  	s29 =	simm.s32 $0x9;
	_ =	strace $0x8000004B  }
0x2b: {  	_ =	swait.ge [sflag:s29], $0x1  }
0x2c: {  	[sflag:s29] =	ssyncadd.s32 $0xFFFFFFFF  }
0x2d: {  	_ =	strace $0x9000004B  }
0x2e: {  	_ =	sfence  }
0x2f: {  	s30 =	sld [smem:$0x0];
	_ =	sdelay $0x2  }
0x30: {  	s31 =	sshll.u32 s1, $0xD;
	s1 =	sshrl.u32 s1, $0x2  }
0x31: {  	s3 =	sand.u32 $0x4000, s31;
	s1 =	sadd.s32 s1, s30  }
0x32: {  	s0 =	sor.u32 s3, s0;
	s1 =	sshll.u32 s1, $0x11  }
0x33: {  	s0 =	sor.u32 s1, s0  }
0x34: {  	s0 =	sadd.s32 $0x8F2B, s0  }
0x35: {  	[sflag:s0] =	ssyncadd.remote.s32 $0x1  }
0x36: {  	_ =	sfence.sel $0xFFFF  }
0x37: {  	[dreg:$0x0] =	wrdreg $0xFFFFFFFF;
	(pc) =	sbr.abs _section_cstart, $3  }
0x38: {  	[dreg:$0x1] =	wrdreg $0xFFFFFFFF  }
0x39: {  	_ =	task.clear_ibuf [dreg:s7], $0x2FFFF;
	_ =	strace $0x9FFFFFFF  }
0x3a: {  	(tm) =	ssettm $0x7FFFFFFF  }
0x3b: {  	_ =	shalt  }
tec
execute0_lowered:
.L_overlay_start_1:
0x0: {  	(tag) =	ssettag $0x1  }
0x1: {  	s0 =	srdreg.scid  }
0x2: {  	s1 =	sshll.u32 s0, $0x4  }
0x3: {  	s0 =	stileid.u32;
	s1 =	sand.u32 $0x10, s1  }
0x4: {  	s1 =	sor.u32 s0, s1  }
0x5: {  	s6 =	rddreg [dreg:$0x0];
	s4 =	simm.s32 $0x1;
	s2 =	sshll.u32 s1, $0x7  }
0x6: {  	s7 =	simm.s32 $0x2;
	s12 =	simm.s32 $0x0;
	s1 =	ssub.s32 $0x1000, s2  }
0x7: {  	s8 =	simm.s32 $0x8000;
	s13 =	simm.s32 $0x0;
	s3 =	sand.u32 $0xF80, s1  }
0x8: {  	s9 =	simm.s32 $0x0;
	s5 =	sshrl.u32 s1, $0xC;
	p0 =	sne.s32 s3, $0x0  }
.Ltmp0:
0x9: {  	s1 =	rddreg [dreg:$0x2];
	s4 =	simm.s32 @!p0 $0x0;
	(pc) =	sbr.rel .LBB1_1-.Ltmp0, $4  }
0xa: {  	s11 =	simm.s32 $0x0;
	s3 =	rddreg [dreg:$0x1];
	s5 =	sadd.s32 s4, s5  }
0xb: {  	_ =	strace $0x8000004A;
	s4 =	simm.s32 $0x1;
	s5 =	smul.u32 $0xC8, s5  }
0xc: {  	s6 =	sadd.s32 $0x800, s6;
	s10 =	smov.u32 s2;
	[sflag:s4] =	ssyncpa.u1 $0x0  }
0xd: {  	p0 =	por $0x0, $0x0;
	[sflag:s7] =	ssyncpa.u1 $0x0;
	s7 =	sor.u32 $0x1, s5  }
.LBB1_4:
0xe: {  	s16 =	sshll.u32 s13, $0x3;
	s17 =	sand.u32 $0x78, s13  }
0xf: {  	s30 =	sand.u32 $0x7E00, s13;
	s12 =	sshll.u32 s12, $0xF;
	s16 =	sand.u32 $0xC00, s16  }
0x10: {  	[tilespmem:s15+$0x810 ss:$0x81] =	vst.msk $0xffff, v2;
	s31 =	sand.u32 $0x7, s13;
	s16 =	sor.u32 s17, s16;
	s17 =	sadd.s32 s3, s30  }
0x11: {  	[tilespmem:s15+$0x1020 ss:$0x81] =	vst.msk $0xffff, v0;
	s13 =	sshll.u32 s31, $0x12;
	s12 =	sadd.s32 s12, s17;
	s16 =	sshrl.u32 s16, $0x3  }
0x12: {  	[tilespmem:s15+$0x0 ss:$0x81] =	vst.msk $0xffff, v1;
	s13 =	sor.u32 $0x400, s13;
	s12 =	sadd.s32 s16, s12  }
0x13: {  	[hbm4b:s12+s13] =	stream.strided.scatter [tilespmem:s14], [sflag:$0x2], $0x2000, s8, s13, $0x20;
	[tilespmem:$0x8080] =	vst v63  }
.LBB1_5:
0x14: {  	s14 =	sadd.s32 $0x1, s9  }
0x15: {  	s12 =	sadd.s32 $0x1000, s10;
	s16 =	smov.u32 s10;
	p2 =	sgt.s32 s14, $0xC7  }
0x16: {  	s16 =	smov.u32 @p2 s12  }
0x17: {  	s14 =	simm.s32 @p2 $0x0;
	p2 =	sgt.s32 s16, $0xFFF  }
0x18: {  	s16 =	smov.u32 @p2 s2;
	p2 =	sne.s32 s11, s7  }
.Ltmp1:
0x19: {  	p1 =	slt.u32 s11, $0x2;
	(pc) =	sbr.rel @!p2 .LBB1_6-.Ltmp1, $4  }
0x1a: {  	s15 =	simm.s32 @!p1 $0x2  }
0x1b: {  	s13 =	smov.u32 s10;
	p0 =	por !p0, !p0;
	_ =	swait.ge @!p1 [sflag:s15], $0x2000  }
0x1c: {  	s12 =	smov.u32 s9;
	[sflag:s15] =	ssyncset.done @!p1 $0x0;
	s9 =	smov.u32 s14  }
0x1d: {  	s11 =	sadd.s32 $0x1, s11;
	[sflag:s15] =	ssyncadd.s32 @!p1 $0xFFFFE000;
	s10 =	smov.u32 s16  }
.LBB1_1:
0x1e: {  	p1 =	sge.u32 s11, s5  }
0x1f: {  	s14 =	sand.u32 @!p1 $0x1FFFFFF, s9  }
0x20: {  	s15 =	smulhi.u32 @!p1 $0x147AE15, s14;
	_ =	sdelay $0x1  }
0x21: {  	s15 =	smul.u32 @!p1 $0xC8, s15  }
0x22: {  	s16 =	sxor.u32 @!p1 $0xFFFFFFFF, s11;
	s17 =	smul.u32 @!p1 $0xC80, s10  }
0x23: {  	s31 =	sadd.s32 $0xFFFFFFFF, s11;
	s16 =	sshll.u32 @!p1 s16, $0xD;
	s14 =	ssub.s32 @!p1 s14, s15  }
0x24: {  	s15 =	sand.u32 @!p1 $0x2000, s16;
	s16 =	sadd.s32 @!p1 s6, s17;
	s14 =	sshll.u32 @!p1 s14, $0x4  }
0x25: {  	s17 =	simm.s32 @!p1 $0x6400;
	s14 =	sadd.s32 @!p1 s14, s16;
	s16 =	simm.s32 @!p1 $0x40  }
0x26: {  	[tilespmem:s15], [sflag:$0x1] =	stream.strided.gather @!p1 [hbm4b:s14+s16], $0x2000, s17, s16, $0x38;
	[tilespmem:$0x8080] =	vst v63  }
0x27: {  	p1 =	sge.u32 s31, s5  }
.Ltmp2:
0x28: {  	_ = 	snop;
	(pc) =	sbr.rel @p1 .LBB1_5-.Ltmp2, $1  }
0x29: {  	_ =	sdelay $0x3  }
0x2a: {  	s14 =	simm.s32 $0x1  }
0x2b: {  	_ =	swait.ge [sflag:s4], $0x2000;
	s14 =	simm.s32 @!p0 $0x0  }
0x2c: {  	[sflag:s4] =	ssyncset.done $0x0;
	s15 =	sshll.u32 s14, $0xD  }
0x2d: {  	[sflag:s4] =	ssyncadd.s32 $0xFFFFE000;
	s18 =	sor.u32 $0x20, s15  }
0x2e: {  	s14 =	smul.u32 $0x8100, s14;
	v3 =	vld [tilespmem:s18+$0x10]  }
0x2f: {  	s30 =	sand.u32 $0x1, s11;
	v2 =	vld [tilespmem:s18+$0xFFFFFFF0]  }
0x30: {  	s15 =	smul.u32 $0x8100, s30;
	s14 =	sshrl.u32 s14, $0x2;
	v0 =	vld [tilespmem:s18+$0x0]  }
0x31: {  	v1 =	vld [tilespmem:s18+$0xFFFFFFE0];
	s16 =	sor.u32 $0x4000, s14  }
0x32: {  	s31 =	sshrl.u32 s15, $0x2;
	s15 =	sadd.s32 $0x0, s16  }
0x33: {  	s17 =	simm.s32 $0x4;
	s18 =	sadd.s32 $0x40, s18;
	s14 =	sor.u32 $0x4000, s31;
	[tilespmem:s15+$0x1830 ss:$0x81] =	vst.msk $0xffff, v3  }
.LBB1_3:
0x34: {  	v3 =	vld [tilespmem:s18+$0x10];
	p1 =	sne.s32 s17, $0x1FC;
	[tilespmem:s15+$0x810 ss:$0x81] =	vst.msk $0xffff, v2;
	s19 =	smov.u32 s17;
	s17 =	sadd.s32 $0x4, s17  }
.Ltmp3:
0x35: {  	v2 =	vld [tilespmem:s18+$0xFFFFFFF0];
	[tilespmem:s15+$0x1020 ss:$0x81] =	vst.msk $0xffff, v0;
	(pc) =	sbr.rel @p1 .LBB1_3-.Ltmp3, $4  }
0x36: {  	v0 =	vld [tilespmem:s18+$0x0];
	[tilespmem:s15+$0x0 ss:$0x81] =	vst.msk $0xffff, v1  }
0x37: {  	s15 =	sshra.s32 s19, $0x2;
	v1 =	vld [tilespmem:s18+$0xFFFFFFE0]  }
0x38: {  	s15 =	sadd.s32 s15, s16  }
0x39: {  	s18 =	sadd.s32 $0x40, s18;
	[tilespmem:s15+$0x1830 ss:$0x81] =	vst.msk $0xffff, v3  }
.Ltmp4:
0x3a: {  	_ = 	snop;
	(pc) =	sbr.rel .LBB1_4-.Ltmp4, $1  }
0x3b: {  	_ =	sdelay $0x3  }
.LBB1_6:
0x3c: {  	_ =	sfence.sel $0x180000  }
0x3d: {  	s2 =	simm.s32 $0x1;
	[bflag:$0x0] =	sbarrier.arrive $0xFFFF  }
0x3e: {  	s31 =	simm.s32 $0x2;
	[sflag:s2] =	ssyncpa.u1 $0x1  }
0x3f: {  	[sflag:s31] =	ssyncpa.u1 $0x1  }
0x40: {  	p0 =	sne.s32 s0, $0x0;
	_ =	strace $0x9000004A  }
0x41: {  	s0 =	sadd.s32 @!p0 $0x100000, s1;
	[bflag:$0x2] =	sbarrier.arrive $0xFFFF  }
0x42: {  	[sflag:s0] =	ssyncadd.tile.s32 @!p0 $0x1;
	_ =	shalt  }
.Lfunc_end1:
_tile_overlayer_lowered:
.L_overlay_start_2:
0x43: {  	(tag) =	ssettag $0x2  }
0x44: {  	s0 =	rddreg [dreg:$0x0];
	s2 =	stileid.u32  }
0x45: {  	s1 =	rddreg [dreg:$0x1];
	p0 =	sne.s32 s2, $0x0  }
0x46: {  	s3 =	rddreg [dreg:$0x2];
	[bflag:$0x3] =	sbarrier.arrive $0xFFFF;
	s2 =	simm.s32 @!p0 $0x1C01  }
0x47: {  	[timem:s3], [sflag:s2] =	dma.local @!p0 [hbm:s0], s1  }
0x48: {  	s0 =	simm.s32 @!p0 $0x1  }
0x49: {  	_ =	swait.ge @!p0 [sflag:s0], s1  }
0x4a: {  	s1 =	ssub.s32 @!p0 $0x0, s1;
	[sflag:s0] =	ssyncset.done @!p0 $0x0  }
0x4b: {  	[sflag:s0] =	ssyncadd.s32 @!p0 s1  }
0x4c: {  	[bflag:$0x3] =	sbarrier.arrive $0xFFFF  }
0x4d: {  	_ =	shalt  }

</sc_bundles>
